<compile_context>
chip_gen: v7x
topology: tpu7x:2x2x1
jax: 0.10.2.dev20260603
libtpu: 0.0.44.dev20260713+nightly
codegen_flags: <defaults>
</compile_context>

<pallas_src>
import functools
import math

import jax
import jax.numpy as jnp
from jax import lax
from jax.experimental import pallas as pl
from jax.experimental.pallas import tpu as pltpu
from jax.experimental.pallas import tpu_sc as plsc

N = 4096
D = 1024
H = 16
DH = 64
DFF = 4096
KK = 512

_NC = 2
_NS = 16
_L = 16
_NW = _NC * _NS



def _kv_rank(x2d, Wk, Wv, bkv, g1, be1, c_col, c_row):
    BR = 512

    def body(x_ref, wk_ref, wv_ref, b_ref, g_ref, be_ref, cc_ref, cr_ref,
             kv_ref, rank_ref):
        i = pl.program_id(0)
        xn = _ln_rows(x_ref[...], g_ref[...], be_ref[...])
        kk_ = jnp.dot(xn, wk_ref[...],
                      preferred_element_type=jnp.float32) + b_ref[:, :D]
        vv_ = jnp.dot(xn, wv_ref[...],
                      preferred_element_type=jnp.float32) + b_ref[:, D:]
        kv_ref[:, :D] = kk_.astype(jnp.bfloat16)
        kv_ref[:, D:] = vv_.astype(jnp.bfloat16)
        ci = cc_ref[...]
        cj = cr_ref[...]
        ivec = (lax.broadcasted_iota(jnp.int32, (BR, 1), 0) + i * BR)
        jvec = lax.broadcasted_iota(jnp.int32, (1, N), 1)
        gt = cj > ci
        tie = (cj == ci) & (jvec < ivec)
        rank_ref[...] = jnp.sum((gt | tie).astype(jnp.int32), axis=1,
                                keepdims=True)

    return pl.pallas_call(
        body,
        grid=(N // BR,),
        in_specs=[
            pl.BlockSpec((BR, D), lambda i: (i, 0)),
            pl.BlockSpec((D, D), lambda i: (0, 0)),
            pl.BlockSpec((D, D), lambda i: (0, 0)),
            pl.BlockSpec((1, 2 * D), lambda i: (0, 0)),
            pl.BlockSpec((1, D), lambda i: (0, 0)),
            pl.BlockSpec((1, D), lambda i: (0, 0)),
            pl.BlockSpec((BR, 1), lambda i: (i, 0)),
            pl.BlockSpec((1, N), lambda i: (0, 0)),
        ],
        out_specs=[
            pl.BlockSpec((BR, 2 * D), lambda i: (i, 0)),
            pl.BlockSpec((BR, 1), lambda i: (i, 0)),
        ],
        out_shape=[
            jax.ShapeDtypeStruct((N, 2 * D), jnp.bfloat16),
            jax.ShapeDtypeStruct((N, 1), jnp.int32),
        ],
        compiler_params=pltpu.CompilerParams(
            vmem_limit_bytes=100 * 1024 * 1024),
    )(x2d, Wk, Wv, bkv, g1, be1, c_col, c_row)


def _gather_rows(table, ranks):
    BPW = KK // _NW
    JV = N // _L
    OUT = KK + 8
    mesh = plsc.VectorSubcoreMesh(core_axis_name="c", subcore_axis_name="s")

    @functools.partial(
        pl.kernel,
        out_type=[
            jax.ShapeDtypeStruct((KK, D), jnp.float32),
            jax.ShapeDtypeStruct((OUT,), jnp.int32),
        ],
        mesh=mesh,
        compiler_params=pltpu.CompilerParams(needs_layout_passes=False),
        scratch_types=[
            pltpu.VMEM((N,), jnp.int32),
            pltpu.VMEM((OUT,), jnp.int32),
            pltpu.VMEM((BPW,), jnp.int32),
            pltpu.VMEM((BPW, D), jnp.float32),
            pltpu.SemaphoreType.DMA,
        ],
    )
    def k(t_hbm, r_hbm, o_hbm, i_hbm, rk_v, idx_v, myi_v, rows_v, sem):
        wid = lax.axis_index("s") * _NC + lax.axis_index("c")
        pltpu.sync_copy(r_hbm, rk_v)
        lane = lax.iota(jnp.int32, _L)

        def bld(jv, carry):
            rk = rk_v[pl.ds(jv * _L, _L)]
            dest = jnp.minimum(rk, jnp.int32(OUT - 1))
            plsc.store_scatter(idx_v, [dest], lane + jv * _L)
            return carry

        lax.fori_loop(0, JV, bld, 0)
        base = wid * BPW
        myi_v[...] = idx_v[pl.ds(base, BPW)]
        pltpu.async_copy(t_hbm.at[myi_v], rows_v, sem).wait()
        pltpu.sync_copy(rows_v, o_hbm.at[pl.ds(base, BPW)])

        @pl.when(wid == 0)
        def _():
            pltpu.sync_copy(idx_v, i_hbm)

    return k(table, ranks)


def _scatter_rows(x2d, idx, rows):
    HALF = N // 2
    CPT = HALF // _NS
    CCH = 32
    UPT = KK // _NS
    mesh = plsc.VectorSubcoreMesh(core_axis_name="c", subcore_axis_name="s")

    @functools.partial(
        pl.kernel,
        out_type=jax.ShapeDtypeStruct((N + 8, D), jnp.float32),
        mesh=mesh,
        scratch_types=[
            pltpu.VMEM((UPT,), jnp.int32),
            pltpu.VMEM((UPT,), jnp.int32),
            pltpu.VMEM((UPT, D), jnp.float32),
            pltpu.VMEM((CCH, D), jnp.float32),
            pltpu.VMEM((CCH, D), jnp.float32),
            pltpu.SemaphoreType.DMA,
            pltpu.SemaphoreType.DMA,
            pltpu.SemaphoreType.DMA,
            pltpu.SemaphoreType.DMA,
            pltpu.SemaphoreType.DMA,
        ],
    )
    def k(x_hbm, i_hbm, r_hbm, y_hbm, idx_v, dest_v, rows_v,
          bufa_v, bufb_v, ia_sem, ib_sem, oa_sem, ob_sem, sem):
        cid = lax.axis_index("c")
        sid = lax.axis_index("s")
        cb = cid * HALF + sid * CPT
        bufs = (bufa_v, bufb_v)
        isems = (ia_sem, ib_sem)
        osems = (oa_sem, ob_sem)
        NCH = CPT // CCH
        hin = [None, None]
        hout = [None, None]
        for t in range(NCH):
            p = t % 2
            if hout[p] is not None:
                hout[p].wait()
            hin[p] = pltpu.async_copy(
                x_hbm.at[pl.ds(cb + t * CCH, CCH)], bufs[p], isems[p])
            if t >= 1:
                q = 1 - p
                hin[q].wait()
                hout[q] = pltpu.async_copy(
                    bufs[q], y_hbm.at[pl.ds(cb + (t - 1) * CCH, CCH)],
                    osems[q])
        lastp = (NCH - 1) % 2
        hin[lastp].wait()
        hout[lastp] = pltpu.async_copy(
            bufs[lastp], y_hbm.at[pl.ds(cb + (NCH - 1) * CCH, CCH)],
            osems[lastp])
        for p in range(2):
            if hout[p] is not None:
                hout[p].wait()
        plsc.subcore_barrier()
        ub = sid * UPT
        pltpu.sync_copy(i_hbm.at[pl.ds(ub, UPT)], idx_v)
        pltpu.sync_copy(r_hbm.at[pl.ds(ub, UPT)], rows_v)
        lo = cid * HALF
        for t in range(UPT // _L):
            dv = idx_v[pl.ds(t * _L, _L)]
            inb = (dv >= lo) & (dv < lo + HALF)
            dest_v[pl.ds(t * _L, _L)] = jnp.where(inb, dv, jnp.int32(N) + cid)
        pltpu.async_copy(rows_v, y_hbm.at[dest_v], sem).wait()

    return k(x2d, idx, rows)



def _ln_rows(xb, g, b):
    mu = jnp.mean(xb, axis=-1, keepdims=True)
    xc = xb - mu
    sd = jnp.sqrt(jnp.mean(xc * xc, axis=-1, keepdims=True))
    return g * (xc / (sd + 1e-6)) + b


def _attention(xq, Wq, bq, g1, be1, kv, Wo, bo):
    GS = H // 2

    def body(xq_ref, wq_ref, bq_ref, g_ref, be_ref, k_ref, v_ref,
             wo_ref, bo_ref, att_ref, yr_ref, q_s, ctx_s):
        j = pl.program_id(0)

        @pl.when(j == 0)
        def _():
            xn = _ln_rows(xq_ref[...], g_ref[...], be_ref[...])
            q = (jnp.dot(xn.astype(jnp.bfloat16), wq_ref[...],
                         preferred_element_type=jnp.float32)
                 + bq_ref[...]).astype(jnp.bfloat16)
            for g in range(GS):
                q_s[g] = q[:, g * 2 * DH:(g + 1) * 2 * DH]

        qj = q_s[j]
        for t in range(2):
            sl = slice(t * DH, (t + 1) * DH)
            s = lax.dot_general(
                qj[:, sl], k_ref[:, sl], (((1,), (1,)), ((), ())),
                preferred_element_type=jnp.float32) * (1.0 / math.sqrt(DH))
            p = jnp.exp(s)
            p = p / jnp.sum(p, axis=-1, keepdims=True)
            att_ref[t] = p
            ctx_s[j, :, sl] = jnp.dot(p.astype(jnp.bfloat16),
                                      v_ref[...][:, sl],
                                      preferred_element_type=jnp.float32)

        @pl.when(j == GS - 1)
        def _():
            ctx = jnp.concatenate([ctx_s[g] for g in range(GS)], axis=1)
            yr_ref[...] = (jnp.dot(ctx.astype(jnp.bfloat16), wo_ref[...],
                                   preferred_element_type=jnp.float32)
                           + bo_ref[...] + xq_ref[...])

    return pl.pallas_call(
        body,
        grid=(GS,),
        in_specs=[
            pl.BlockSpec((KK, D), lambda j: (0, 0)),
            pl.BlockSpec((D, D), lambda j: (0, 0)),
            pl.BlockSpec((1, D), lambda j: (0, 0)),
            pl.BlockSpec((1, D), lambda j: (0, 0)),
            pl.BlockSpec((1, D), lambda j: (0, 0)),
            pl.BlockSpec((N, 2 * DH), lambda j: (0, j)),
            pl.BlockSpec((N, 2 * DH), lambda j: (0, 8 + j)),
            pl.BlockSpec((D, D), lambda j: (0, 0)),
            pl.BlockSpec((1, D), lambda j: (0, 0)),
        ],
        out_specs=[
            pl.BlockSpec((2, KK, N), lambda j: (j, 0, 0)),
            pl.BlockSpec((KK, D), lambda j: (0, 0)),
        ],
        out_shape=[
            jax.ShapeDtypeStruct((H, KK, N), jnp.float32),
            jax.ShapeDtypeStruct((KK, D), jnp.float32),
        ],
        scratch_shapes=[
            pltpu.VMEM((GS, KK, 2 * DH), jnp.bfloat16),
            pltpu.VMEM((GS, KK, 2 * DH), jnp.float32),
        ],
        compiler_params=pltpu.CompilerParams(
            vmem_limit_bytes=110 * 1024 * 1024),
    )(xq, Wq, bq, g1, be1, kv, kv, Wo, bo)


def _ffn(y2d, W1, b1, W2, b2, g2, be2):
    BR = 512

    def body(y_ref, w1_ref, b1_ref, w2_ref, b2_ref, g_ref, be_ref, o_ref):
        yb = y_ref[...]
        yn = _ln_rows(yb, g_ref[...], be_ref[...])
        h = jnp.maximum(
            jnp.dot(yn, w1_ref[...], preferred_element_type=jnp.float32)
            + b1_ref[...], 0.0)
        o_ref[...] = yb + jnp.dot(
            h, w2_ref[...], preferred_element_type=jnp.float32) + b2_ref[...]

    return pl.pallas_call(
        body,
        grid=(N // BR,),
        in_specs=[
            pl.BlockSpec((BR, D), lambda i: (i, 0)),
            pl.BlockSpec((D, DFF), lambda i: (0, 0)),
            pl.BlockSpec((1, DFF), lambda i: (0, 0)),
            pl.BlockSpec((DFF, D), lambda i: (0, 0)),
            pl.BlockSpec((1, D), lambda i: (0, 0)),
            pl.BlockSpec((1, D), lambda i: (0, 0)),
            pl.BlockSpec((1, D), lambda i: (0, 0)),
        ],
        out_specs=pl.BlockSpec((BR, D), lambda i: (i, 0)),
        out_shape=jax.ShapeDtypeStruct((N, D), jnp.float32),
        compiler_params=pltpu.CompilerParams(
            vmem_limit_bytes=100 * 1024 * 1024),
    )(y2d, W1, b1, W2, b2, g2, be2)



def kernel(x, c, Wq, bq, Wk, bk, Wv, bv, Wo, bo, W1, b1, W2, b2,
           g1, be1, g2, be2):
    x2d = x[0]
    cf = c[0, :, 0]
    g1r, be1r = g1.reshape(1, D), be1.reshape(1, D)
    g2r, be2r = g2.reshape(1, D), be2.reshape(1, D)

    kv, ranks = _kv_rank(x2d, Wk, Wv,
                         jnp.concatenate([bk, bv]).reshape(1, 2 * D),
                         g1r, be1r, cf.reshape(N, 1), cf.reshape(1, N))
    xq, idx_full = _gather_rows(x2d, ranks.reshape(N))
    idx = idx_full[:KK]
    att, yrows = _attention(xq, Wq.astype(jnp.bfloat16), bq.reshape(1, D),
                            g1r, be1r, kv, Wo.astype(jnp.bfloat16),
                            bo.reshape(1, D))
    y = _scatter_rows(x2d, idx, yrows)
    out2 = _ffn(y, W1, b1.reshape(1, DFF), W2, b2.reshape(1, D), g2r, be2r)
    return (out2.reshape(1, N, D), att.reshape(1, H, KK, N))

# --- scband reference (transcript-rebuilt; emitter-appended) ---
"""Pipeline reference for scband-encoder-layer-1211180778417 (READ-ONLY COPY).

The authoritative reference and input builder live on the scoring server;
editing this copy changes nothing except your own understanding.
"""

import jax, jax.numpy as jnp
import numpy as np
import math

B = 1
N = 4096
D = 1024
H = 16
DH = D // H
DFF = 4096
BIG_LAMBDA = 512
TOP_SHARE = 1.0  # 1.0 - random_patch_share (random_patch_share = 0.0 for determinism)


def layer_norm(x, g, b, eps=1e-6):
    mu = jnp.mean(x, axis=-1, keepdims=True)
    sd = jnp.std(x, axis=-1, keepdims=True)
    return g * (x - mu) / (sd + eps) + b


def setup_inputs(seed: int = 0) -> dict:
    key = jax.random.key(seed)
    ks = jax.random.split(key, 10)
    s = 1.0 / math.sqrt(D)
    return {
        "x": jax.random.normal(ks[0], (B, N, D), jnp.float32),
        "c": jax.random.normal(ks[1], (B, N, 1), jnp.float32),
        "Wq": jax.random.normal(ks[2], (D, D), jnp.float32) * s,
        "bq": jnp.zeros((D,), jnp.float32),
        "Wk": jax.random.normal(ks[3], (D, D), jnp.float32) * s,
        "bk": jnp.zeros((D,), jnp.float32),
        "Wv": jax.random.normal(ks[4], (D, D), jnp.float32) * s,
        "bv": jnp.zeros((D,), jnp.float32),
        "Wo": jax.random.normal(ks[5], (D, D), jnp.float32) * s,
        "bo": jnp.zeros((D,), jnp.float32),
        "W1": jax.random.normal(ks[6], (D, DFF), jnp.float32) * s,
        "b1": jnp.zeros((DFF,), jnp.float32),
        "W2": jax.random.normal(ks[7], (DFF, D), jnp.float32) * (1.0 / math.sqrt(DFF)),
        "b2": jnp.zeros((D,), jnp.float32),
        "g1": jnp.ones((D,), jnp.float32),
        "be1": jnp.zeros((D,), jnp.float32),
        "g2": jnp.ones((D,), jnp.float32),
        "be2": jnp.zeros((D,), jnp.float32),
    }


def reference(x, c, Wq, bq, Wk, bk, Wv, bv, Wo, bo, W1, b1, W2, b2, g1, be1, g2, be2):
    kk = math.ceil(BIG_LAMBDA * TOP_SHARE)
    # torch.sort(c, 1, descending=True) -> indices; take top kk, squeeze (batch=1)
    m_indices = jnp.argsort(-c[:, :, 0], axis=1)
    idx = m_indices[0, :kk]
    # sublayer[0] ('attn'): pre-norm, selected queries attend over all tokens
    x_norm = layer_norm(x, g1, be1)
    q_in = jnp.take(x_norm, idx, axis=1)
    q = (q_in @ Wq + bq).reshape(B, kk, H, DH).transpose(0, 2, 1, 3)
    k = (x_norm @ Wk + bk).reshape(B, N, H, DH).transpose(0, 2, 1, 3)
    v = (x_norm @ Wv + bv).reshape(B, N, H, DH).transpose(0, 2, 1, 3)
    scores = jnp.einsum('bhqd,bhkd->bhqk', q, k) / math.sqrt(DH)
    attentions = jax.nn.softmax(scores, axis=-1)
    ctx = jnp.einsum('bhqk,bhkd->bhqd', attentions, v)
    ctx = ctx.transpose(0, 2, 1, 3).reshape(B, kk, D)
    attn_out = ctx @ Wo + bo
    x_sel = jnp.take(x, idx, axis=1)
    x_big_lambda = x_sel + attn_out  # residual; dropout = 0.0
    # scatter-overwrite selected rows: y = x.clone(); y[:, selected, :] = x_big_lambda
    y = x.at[:, idx, :].set(x_big_lambda)
    # sublayer[1] ('ff'): pre-norm feed-forward with residual
    y_norm = layer_norm(y, g2, be2)
    ff = jax.nn.relu(y_norm @ W1 + b1) @ W2 + b2
    out = y + ff
    return (out, attentions)

if __name__ == "__main__":
    import jax
    _d = setup_inputs()
    print(jax.jit(kernel)(*tuple(_d.values())))

</pallas_src>

<mosaic_0001>
#map = affine_map<(d0, d1) -> (0, 0)>
#map1 = affine_map<(d0, d1) -> (0)>
module attributes {stable_mosaic.version = 14 : i64} {
  func.func @k(%arg0: i32, %arg1: i32, %arg2: memref<4096x1024xf32, #tpu.memory_space<hbm>>, %arg3: memref<4096xi32, #tpu.memory_space<hbm>>, %arg4: memref<512x1024xf32, #tpu.memory_space<hbm>>, %arg5: memref<520xi32, #tpu.memory_space<hbm>>, %arg6: memref<4096xi32, #tpu.memory_space<vmem>>, %arg7: memref<520xi32, #tpu.memory_space<vmem>>, %arg8: memref<16xi32, #tpu.memory_space<vmem>>, %arg9: memref<16x1024xf32, #tpu.memory_space<vmem>>, %arg10: memref<!tpu.dma_semaphore, #tpu.memory_space<semaphore_mem>>) attributes {dimension_semantics = [#tpu.dimension_semantics<core_parallel>, #tpu.dimension_semantics<subcore_parallel>], iteration_bounds = array<i64: 2, 16>, scalar_prefetch = 0 : i64, scratch_operands = 5 : i64, tpu.core_type = #tpu.core_type<sc_vector_subcore>, window_params = [{transform_indices = #map}, {transform_indices = #map1}, {transform_indices = #map}, {transform_indices = #map1}]} {
    %mul3A = arith.constant 2 : i32
    %mul3A_0 = arith.muli %arg1, %mul3A : i32
    %add3A = arith.addi %mul3A_0, %arg0 : i32
    "tpu.region"() ({
      %run_scoped3A = tpu.sem_alloc : memref<!tpu.dma_semaphore, #tpu.memory_space<semaphore_mem>>
      tpu.enqueue_dma source(%arg3 : memref<4096xi32, #tpu.memory_space<hbm>>) target(%arg6 : memref<4096xi32, #tpu.memory_space<vmem>>) target_semaphore(%run_scoped3A : memref<!tpu.dma_semaphore, #tpu.memory_space<semaphore_mem>>)
      tpu.wait_dma2 semaphore(%run_scoped3A : memref<!tpu.dma_semaphore, #tpu.memory_space<semaphore_mem>>) src(%arg3 : memref<4096xi32, #tpu.memory_space<hbm>>) dst(%arg6 : memref<4096xi32, #tpu.memory_space<vmem>>)
      tpu.yield
    }) : () -> ()
    %iota3A = tpu.iota {dimensions = array<i32: 0>} : vector<16xi32>
    %scan3A = arith.constant 0 : i32
    %scan3A_1 = arith.constant 0 : i32
    %scan3A_2 = arith.constant 256 : i32
    %scan3A_3 = arith.addi %scan3A_1, %scan3A_2 : i32
    %scan3A_4 = arith.constant 1 : i32
    scf.for %scan3A_16 = %scan3A_1 to %scan3A_3 step %scan3A_4  : i32 {
      %mul3A_17 = arith.constant 16 : i32
      %mul3A_18 = arith.muli %scan3A_16, %mul3A_17 : i32
      %get3A_19 = arith.index_cast %mul3A_18 : i32 to index
      %get3A_20 = tpu.vector_load %arg6[%get3A_19] {strides = array<i32>} : memref<4096xi32, #tpu.memory_space<vmem>>, vector<16xi32>,
      %min3A = arith.constant 519 : i32
      %min3A_21 = vector.broadcast %min3A : i32 to vector<16xi32>
      %min3A_22 = arith.minsi %get3A_20, %min3A_21 : vector<16xi32>
      %mul3A_23 = arith.constant 16 : i32
      %mul3A_24 = arith.muli %scan3A_16, %mul3A_23 : i32
      %add3A_25 = vector.broadcast %mul3A_24 : i32 to vector<16xi32>
      %add3A_26 = arith.addi %iota3A, %add3A_25 : vector<16xi32>
      tpu.vector_store_idx %arg7[%min3A_22], %add3A_26 : memref<520xi32, #tpu.memory_space<vmem>>[vector<16xi32>], vector<16xi32>,
    }
    %scan3A_5 = arith.constant 256 : i32
    %mul3A_6 = arith.constant 16 : i32
    %mul3A_7 = arith.muli %add3A, %mul3A_6 : i32
    %get3A = arith.index_cast %mul3A_7 : i32 to index
    %get3A_8 = tpu.vector_load %arg7[%get3A] {strides = array<i32>} : memref<520xi32, #tpu.memory_space<vmem>>, vector<16xi32>,
    %swap3A = arith.constant 0 : index
    %swap3A_9 = tpu.vector_load %arg8[%swap3A] {strides = array<i32>} : memref<16xi32, #tpu.memory_space<vmem>>, vector<16xi32>,
    tpu.vector_store %arg8[%swap3A], %get3A_8 {strides = array<i32>} : memref<16xi32, #tpu.memory_space<vmem>>, vector<16xi32>,
    %dma_start3A = arith.constant 0 : i32
    %dma_start3A_10 = arith.constant 0 : i32
    %dma_start3A_11 = tpu.memref_slice %arg2[%dma_start3A, %dma_start3A_10] : memref<4096x1024xf32, #tpu.memory_space<hbm>> -> memref<4096x1024xf32, #tpu.memory_space<hbm>>
    tpu.enqueue_indirect_dma source(%dma_start3A_11 : memref<4096x1024xf32, #tpu.memory_space<hbm>>) target(%arg9 : memref<16x1024xf32, #tpu.memory_space<vmem>>) offsets(%arg8 : memref<16xi32, #tpu.memory_space<vmem>>) semaphore(%arg10 : memref<!tpu.dma_semaphore, #tpu.memory_space<semaphore_mem>>)
    %dma_wait3A = arith.constant 0 : i32
    %dma_wait3A_12 = arith.constant 0 : i32
    %dma_wait3A_13 = tpu.memref_slice %arg2[%dma_wait3A, %dma_wait3A_12] : memref<4096x1024xf32, #tpu.memory_space<hbm>> -> memref<4096x1024xf32, #tpu.memory_space<hbm>>
    tpu.wait_indirect_dma semaphore(%arg10 : memref<!tpu.dma_semaphore, #tpu.memory_space<semaphore_mem>>) src(%dma_wait3A_13 : memref<4096x1024xf32, #tpu.memory_space<hbm>>) dst(%arg9 : memref<16x1024xf32, #tpu.memory_space<vmem>>)
    "tpu.region"() ({
      %run_scoped3A = tpu.sem_alloc : memref<!tpu.dma_semaphore, #tpu.memory_space<semaphore_mem>>
      %dma_start3A_16 = arith.constant 0 : i32
      %dma_start3A_17 = tpu.memref_slice %arg4[%mul3A_7, %dma_start3A_16] : memref<512x1024xf32, #tpu.memory_space<hbm>> -> memref<16x1024xf32, #tpu.memory_space<hbm>>
      %dma_start3A_18 = arith.constant 0 : i32
      %dma_start3A_19 = tpu.memref_slice %arg4[%mul3A_7, %dma_start3A_18] : memref<512x1024xf32, #tpu.memory_space<hbm>> -> memref<16x1024xf32, #tpu.memory_space<hbm>>
      tpu.enqueue_dma source(%arg9 : memref<16x1024xf32, #tpu.memory_space<vmem>>) target(%dma_start3A_19 : memref<16x1024xf32, #tpu.memory_space<hbm>>) target_semaphore(%run_scoped3A : memref<!tpu.dma_semaphore, #tpu.memory_space<semaphore_mem>>)
      %dma_wait3A_20 = arith.constant 0 : i32
      %dma_wait3A_21 = tpu.memref_slice %arg4[%mul3A_7, %dma_wait3A_20] : memref<512x1024xf32, #tpu.memory_space<hbm>> -> memref<16x1024xf32, #tpu.memory_space<hbm>>
      %dma_wait3A_22 = arith.constant 0 : i32
      %dma_wait3A_23 = tpu.memref_slice %arg4[%mul3A_7, %dma_wait3A_22] : memref<512x1024xf32, #tpu.memory_space<hbm>> -> memref<16x1024xf32, #tpu.memory_space<hbm>>
      tpu.wait_dma2 semaphore(%run_scoped3A : memref<!tpu.dma_semaphore, #tpu.memory_space<semaphore_mem>>) src(%arg9 : memref<16x1024xf32, #tpu.memory_space<vmem>>) dst(%dma_wait3A_23 : memref<16x1024xf32, #tpu.memory_space<hbm>>)
      tpu.yield
    }) : () -> ()
    %eq3A = arith.constant 0 : i32
    %eq3A_14 = arith.cmpi eq, %add3A, %eq3A : i32
    %convert_element_type3A = arith.extui %eq3A_14 : i1 to i32
    %cond3A = arith.constant 0 : i32
    %cond3A_15 = arith.cmpi ne, %convert_element_type3A, %cond3A : i32
    scf.if %cond3A_15 {
      "tpu.region"() ({
        %run_scoped3A = tpu.sem_alloc : memref<!tpu.dma_semaphore, #tpu.memory_space<semaphore_mem>>
        tpu.enqueue_dma source(%arg7 : memref<520xi32, #tpu.memory_space<vmem>>) target(%arg5 : memref<520xi32, #tpu.memory_space<hbm>>) target_semaphore(%run_scoped3A : memref<!tpu.dma_semaphore, #tpu.memory_space<semaphore_mem>>)
        tpu.wait_dma2 semaphore(%run_scoped3A : memref<!tpu.dma_semaphore, #tpu.memory_space<semaphore_mem>>) src(%arg7 : memref<520xi32, #tpu.memory_space<vmem>>) dst(%arg5 : memref<520xi32, #tpu.memory_space<hbm>>)
        tpu.yield
      }) : () -> ()
    } else {
    }
    return
  }
}

#map = affine_map<(d0, d1) -> (0, 0)>
#map1 = affine_map<(d0, d1) -> (0)>
module attributes {stable_mosaic.version = 14 : i64} {
  func.func @k(%arg0: i32, %arg1: i32, %arg2: memref<4096x1024xf32, #tpu.memory_space<hbm>>, %arg3: memref<512xi32, #tpu.memory_space<hbm>>, %arg4: memref<512x1024xf32, #tpu.memory_space<hbm>>, %arg5: memref<4104x1024xf32, #tpu.memory_space<hbm>>, %arg6: memref<32xi32, #tpu.memory_space<vmem>>, %arg7: memref<32xi32, #tpu.memory_space<vmem>>, %arg8: memref<32x1024xf32, #tpu.memory_space<vmem>>, %arg9: memref<32x1024xf32, #tpu.memory_space<vmem>>, %arg10: memref<32x1024xf32, #tpu.memory_space<vmem>>, %arg11: memref<!tpu.dma_semaphore, #tpu.memory_space<semaphore_mem>>, %arg12: memref<!tpu.dma_semaphore, #tpu.memory_space<semaphore_mem>>, %arg13: memref<!tpu.dma_semaphore, #tpu.memory_space<semaphore_mem>>, %arg14: memref<!tpu.dma_semaphore, #tpu.memory_space<semaphore_mem>>, %arg15: memref<!tpu.dma_semaphore, #tpu.memory_space<semaphore_mem>>) attributes {dimension_semantics = [#tpu.dimension_semantics<core_parallel>, #tpu.dimension_semantics<subcore_parallel>], iteration_bounds = array<i64: 2, 16>, scalar_prefetch = 0 : i64, scratch_operands = 10 : i64, tpu.core_type = #tpu.core_type<sc_vector_subcore>, window_params = [{transform_indices = #map}, {transform_indices = #map1}, {transform_indices = #map}, {transform_indices = #map}]} {
    %mul3A = arith.constant 2048 : i32
    %mul3A_0 = arith.muli %arg0, %mul3A : i32
    %mul3A_1 = arith.constant 128 : i32
    %mul3A_2 = arith.muli %arg1, %mul3A_1 : i32
    %add3A = arith.addi %mul3A_0, %mul3A_2 : i32
    %add3A_3 = arith.constant 0 : i32
    %add3A_4 = arith.addi %add3A, %add3A_3 : i32
    %dma_start3A = arith.constant 0 : i32
    %dma_start3A_5 = tpu.memref_slice %arg2[%add3A_4, %dma_start3A] : memref<4096x1024xf32, #tpu.memory_space<hbm>> -> memref<32x1024xf32, #tpu.memory_space<hbm>>
    %dma_start3A_6 = arith.constant 0 : i32
    %dma_start3A_7 = tpu.memref_slice %arg2[%add3A_4, %dma_start3A_6] : memref<4096x1024xf32, #tpu.memory_space<hbm>> -> memref<32x1024xf32, #tpu.memory_space<hbm>>
    tpu.enqueue_dma source(%dma_start3A_7 : memref<32x1024xf32, #tpu.memory_space<hbm>>) target(%arg9 : memref<32x1024xf32, #tpu.memory_space<vmem>>) target_semaphore(%arg11 : memref<!tpu.dma_semaphore, #tpu.memory_space<semaphore_mem>>)
    %add3A_8 = arith.constant 32 : i32
    %add3A_9 = arith.addi %add3A, %add3A_8 : i32
    %dma_start3A_10 = arith.constant 0 : i32
    %dma_start3A_11 = tpu.memref_slice %arg2[%add3A_9, %dma_start3A_10] : memref<4096x1024xf32, #tpu.memory_space<hbm>> -> memref<32x1024xf32, #tpu.memory_space<hbm>>
    %dma_start3A_12 = arith.constant 0 : i32
    %dma_start3A_13 = tpu.memref_slice %arg2[%add3A_9, %dma_start3A_12] : memref<4096x1024xf32, #tpu.memory_space<hbm>> -> memref<32x1024xf32, #tpu.memory_space<hbm>>
    tpu.enqueue_dma source(%dma_start3A_13 : memref<32x1024xf32, #tpu.memory_space<hbm>>) target(%arg10 : memref<32x1024xf32, #tpu.memory_space<vmem>>) target_semaphore(%arg12 : memref<!tpu.dma_semaphore, #tpu.memory_space<semaphore_mem>>)
    %dma_wait3A = arith.constant 0 : i32
    %dma_wait3A_14 = tpu.memref_slice %arg2[%add3A_4, %dma_wait3A] : memref<4096x1024xf32, #tpu.memory_space<hbm>> -> memref<32x1024xf32, #tpu.memory_space<hbm>>
    %dma_wait3A_15 = arith.constant 0 : i32
    %dma_wait3A_16 = tpu.memref_slice %arg2[%add3A_4, %dma_wait3A_15] : memref<4096x1024xf32, #tpu.memory_space<hbm>> -> memref<32x1024xf32, #tpu.memory_space<hbm>>
    tpu.wait_dma2 semaphore(%arg11 : memref<!tpu.dma_semaphore, #tpu.memory_space<semaphore_mem>>) src(%dma_wait3A_16 : memref<32x1024xf32, #tpu.memory_space<hbm>>) dst(%arg9 : memref<32x1024xf32, #tpu.memory_space<vmem>>)
    %add3A_17 = arith.constant 0 : i32
    %add3A_18 = arith.addi %add3A, %add3A_17 : i32
    %dma_start3A_19 = arith.constant 0 : i32
    %dma_start3A_20 = tpu.memref_slice %arg5[%add3A_18, %dma_start3A_19] : memref<4104x1024xf32, #tpu.memory_space<hbm>> -> memref<32x1024xf32, #tpu.memory_space<hbm>>
    %dma_start3A_21 = arith.constant 0 : i32
    %dma_start3A_22 = tpu.memref_slice %arg5[%add3A_18, %dma_start3A_21] : memref<4104x1024xf32, #tpu.memory_space<hbm>> -> memref<32x1024xf32, #tpu.memory_space<hbm>>
    tpu.enqueue_dma source(%arg9 : memref<32x1024xf32, #tpu.memory_space<vmem>>) target(%dma_start3A_22 : memref<32x1024xf32, #tpu.memory_space<hbm>>) target_semaphore(%arg13 : memref<!tpu.dma_semaphore, #tpu.memory_space<semaphore_mem>>)
    %dma_wait3A_23 = arith.constant 0 : i32
    %dma_wait3A_24 = tpu.memref_slice %arg5[%add3A_18, %dma_wait3A_23] : memref<4104x1024xf32, #tpu.memory_space<hbm>> -> memref<32x1024xf32, #tpu.memory_space<hbm>>
    %dma_wait3A_25 = arith.constant 0 : i32
    %dma_wait3A_26 = tpu.memref_slice %arg5[%add3A_18, %dma_wait3A_25] : memref<4104x1024xf32, #tpu.memory_space<hbm>> -> memref<32x1024xf32, #tpu.memory_space<hbm>>
    tpu.wait_dma2 semaphore(%arg13 : memref<!tpu.dma_semaphore, #tpu.memory_space<semaphore_mem>>) src(%arg9 : memref<32x1024xf32, #tpu.memory_space<vmem>>) dst(%dma_wait3A_26 : memref<32x1024xf32, #tpu.memory_space<hbm>>)
    %add3A_27 = arith.constant 64 : i32
    %add3A_28 = arith.addi %add3A, %add3A_27 : i32
    %dma_start3A_29 = arith.constant 0 : i32
    %dma_start3A_30 = tpu.memref_slice %arg2[%add3A_28, %dma_start3A_29] : memref<4096x1024xf32, #tpu.memory_space<hbm>> -> memref<32x1024xf32, #tpu.memory_space<hbm>>
    %dma_start3A_31 = arith.constant 0 : i32
    %dma_start3A_32 = tpu.memref_slice %arg2[%add3A_28, %dma_start3A_31] : memref<4096x1024xf32, #tpu.memory_space<hbm>> -> memref<32x1024xf32, #tpu.memory_space<hbm>>
    tpu.enqueue_dma source(%dma_start3A_32 : memref<32x1024xf32, #tpu.memory_space<hbm>>) target(%arg9 : memref<32x1024xf32, #tpu.memory_space<vmem>>) target_semaphore(%arg11 : memref<!tpu.dma_semaphore, #tpu.memory_space<semaphore_mem>>)
    %dma_wait3A_33 = arith.constant 0 : i32
    %dma_wait3A_34 = tpu.memref_slice %arg2[%add3A_9, %dma_wait3A_33] : memref<4096x1024xf32, #tpu.memory_space<hbm>> -> memref<32x1024xf32, #tpu.memory_space<hbm>>
    %dma_wait3A_35 = arith.constant 0 : i32
    %dma_wait3A_36 = tpu.memref_slice %arg2[%add3A_9, %dma_wait3A_35] : memref<4096x1024xf32, #tpu.memory_space<hbm>> -> memref<32x1024xf32, #tpu.memory_space<hbm>>
    tpu.wait_dma2 semaphore(%arg12 : memref<!tpu.dma_semaphore, #tpu.memory_space<semaphore_mem>>) src(%dma_wait3A_36 : memref<32x1024xf32, #tpu.memory_space<hbm>>) dst(%arg10 : memref<32x1024xf32, #tpu.memory_space<vmem>>)
    %add3A_37 = arith.constant 32 : i32
    %add3A_38 = arith.addi %add3A, %add3A_37 : i32
    %dma_start3A_39 = arith.constant 0 : i32
    %dma_start3A_40 = tpu.memref_slice %arg5[%add3A_38, %dma_start3A_39] : memref<4104x1024xf32, #tpu.memory_space<hbm>> -> memref<32x1024xf32, #tpu.memory_space<hbm>>
    %dma_start3A_41 = arith.constant 0 : i32
    %dma_start3A_42 = tpu.memref_slice %arg5[%add3A_38, %dma_start3A_41] : memref<4104x1024xf32, #tpu.memory_space<hbm>> -> memref<32x1024xf32, #tpu.memory_space<hbm>>
    tpu.enqueue_dma source(%arg10 : memref<32x1024xf32, #tpu.memory_space<vmem>>) target(%dma_start3A_42 : memref<32x1024xf32, #tpu.memory_space<hbm>>) target_semaphore(%arg14 : memref<!tpu.dma_semaphore, #tpu.memory_space<semaphore_mem>>)
    %dma_wait3A_43 = arith.constant 0 : i32
    %dma_wait3A_44 = tpu.memref_slice %arg5[%add3A_38, %dma_wait3A_43] : memref<4104x1024xf32, #tpu.memory_space<hbm>> -> memref<32x1024xf32, #tpu.memory_space<hbm>>
    %dma_wait3A_45 = arith.constant 0 : i32
    %dma_wait3A_46 = tpu.memref_slice %arg5[%add3A_38, %dma_wait3A_45] : memref<4104x1024xf32, #tpu.memory_space<hbm>> -> memref<32x1024xf32, #tpu.memory_space<hbm>>
    tpu.wait_dma2 semaphore(%arg14 : memref<!tpu.dma_semaphore, #tpu.memory_space<semaphore_mem>>) src(%arg10 : memref<32x1024xf32, #tpu.memory_space<vmem>>) dst(%dma_wait3A_46 : memref<32x1024xf32, #tpu.memory_space<hbm>>)
    %add3A_47 = arith.constant 96 : i32
    %add3A_48 = arith.addi %add3A, %add3A_47 : i32
    %dma_start3A_49 = arith.constant 0 : i32
    %dma_start3A_50 = tpu.memref_slice %arg2[%add3A_48, %dma_start3A_49] : memref<4096x1024xf32, #tpu.memory_space<hbm>> -> memref<32x1024xf32, #tpu.memory_space<hbm>>
    %dma_start3A_51 = arith.constant 0 : i32
    %dma_start3A_52 = tpu.memref_slice %arg2[%add3A_48, %dma_start3A_51] : memref<4096x1024xf32, #tpu.memory_space<hbm>> -> memref<32x1024xf32, #tpu.memory_space<hbm>>
    tpu.enqueue_dma source(%dma_start3A_52 : memref<32x1024xf32, #tpu.memory_space<hbm>>) target(%arg10 : memref<32x1024xf32, #tpu.memory_space<vmem>>) target_semaphore(%arg12 : memref<!tpu.dma_semaphore, #tpu.memory_space<semaphore_mem>>)
    %dma_wait3A_53 = arith.constant 0 : i32
    %dma_wait3A_54 = tpu.memref_slice %arg2[%add3A_28, %dma_wait3A_53] : memref<4096x1024xf32, #tpu.memory_space<hbm>> -> memref<32x1024xf32, #tpu.memory_space<hbm>>
    %dma_wait3A_55 = arith.constant 0 : i32
    %dma_wait3A_56 = tpu.memref_slice %arg2[%add3A_28, %dma_wait3A_55] : memref<4096x1024xf32, #tpu.memory_space<hbm>> -> memref<32x1024xf32, #tpu.memory_space<hbm>>
    tpu.wait_dma2 semaphore(%arg11 : memref<!tpu.dma_semaphore, #tpu.memory_space<semaphore_mem>>) src(%dma_wait3A_56 : memref<32x1024xf32, #tpu.memory_space<hbm>>) dst(%arg9 : memref<32x1024xf32, #tpu.memory_space<vmem>>)
    %add3A_57 = arith.constant 64 : i32
    %add3A_58 = arith.addi %add3A, %add3A_57 : i32
    %dma_start3A_59 = arith.constant 0 : i32
    %dma_start3A_60 = tpu.memref_slice %arg5[%add3A_58, %dma_start3A_59] : memref<4104x1024xf32, #tpu.memory_space<hbm>> -> memref<32x1024xf32, #tpu.memory_space<hbm>>
    %dma_start3A_61 = arith.constant 0 : i32
    %dma_start3A_62 = tpu.memref_slice %arg5[%add3A_58, %dma_start3A_61] : memref<4104x1024xf32, #tpu.memory_space<hbm>> -> memref<32x1024xf32, #tpu.memory_space<hbm>>
    tpu.enqueue_dma source(%arg9 : memref<32x1024xf32, #tpu.memory_space<vmem>>) target(%dma_start3A_62 : memref<32x1024xf32, #tpu.memory_space<hbm>>) target_semaphore(%arg13 : memref<!tpu.dma_semaphore, #tpu.memory_space<semaphore_mem>>)
    %dma_wait3A_63 = arith.constant 0 : i32
    %dma_wait3A_64 = tpu.memref_slice %arg2[%add3A_48, %dma_wait3A_63] : memref<4096x1024xf32, #tpu.memory_space<hbm>> -> memref<32x1024xf32, #tpu.memory_space<hbm>>
    %dma_wait3A_65 = arith.constant 0 : i32
    %dma_wait3A_66 = tpu.memref_slice %arg2[%add3A_48, %dma_wait3A_65] : memref<4096x1024xf32, #tpu.memory_space<hbm>> -> memref<32x1024xf32, #tpu.memory_space<hbm>>
    tpu.wait_dma2 semaphore(%arg12 : memref<!tpu.dma_semaphore, #tpu.memory_space<semaphore_mem>>) src(%dma_wait3A_66 : memref<32x1024xf32, #tpu.memory_space<hbm>>) dst(%arg10 : memref<32x1024xf32, #tpu.memory_space<vmem>>)
    %add3A_67 = arith.constant 96 : i32
    %add3A_68 = arith.addi %add3A, %add3A_67 : i32
    %dma_start3A_69 = arith.constant 0 : i32
    %dma_start3A_70 = tpu.memref_slice %arg5[%add3A_68, %dma_start3A_69] : memref<4104x1024xf32, #tpu.memory_space<hbm>> -> memref<32x1024xf32, #tpu.memory_space<hbm>>
    %dma_start3A_71 = arith.constant 0 : i32
    %dma_start3A_72 = tpu.memref_slice %arg5[%add3A_68, %dma_start3A_71] : memref<4104x1024xf32, #tpu.memory_space<hbm>> -> memref<32x1024xf32, #tpu.memory_space<hbm>>
    tpu.enqueue_dma source(%arg10 : memref<32x1024xf32, #tpu.memory_space<vmem>>) target(%dma_start3A_72 : memref<32x1024xf32, #tpu.memory_space<hbm>>) target_semaphore(%arg14 : memref<!tpu.dma_semaphore, #tpu.memory_space<semaphore_mem>>)
    %dma_wait3A_73 = arith.constant 0 : i32
    %dma_wait3A_74 = tpu.memref_slice %arg5[%add3A_58, %dma_wait3A_73] : memref<4104x1024xf32, #tpu.memory_space<hbm>> -> memref<32x1024xf32, #tpu.memory_space<hbm>>
    %dma_wait3A_75 = arith.constant 0 : i32
    %dma_wait3A_76 = tpu.memref_slice %arg5[%add3A_58, %dma_wait3A_75] : memref<4104x1024xf32, #tpu.memory_space<hbm>> -> memref<32x1024xf32, #tpu.memory_space<hbm>>
    tpu.wait_dma2 semaphore(%arg13 : memref<!tpu.dma_semaphore, #tpu.memory_space<semaphore_mem>>) src(%arg9 : memref<32x1024xf32, #tpu.memory_space<vmem>>) dst(%dma_wait3A_76 : memref<32x1024xf32, #tpu.memory_space<hbm>>)
    %dma_wait3A_77 = arith.constant 0 : i32
    %dma_wait3A_78 = tpu.memref_slice %arg5[%add3A_68, %dma_wait3A_77] : memref<4104x1024xf32, #tpu.memory_space<hbm>> -> memref<32x1024xf32, #tpu.memory_space<hbm>>
    %dma_wait3A_79 = arith.constant 0 : i32
    %dma_wait3A_80 = tpu.memref_slice %arg5[%add3A_68, %dma_wait3A_79] : memref<4104x1024xf32, #tpu.memory_space<hbm>> -> memref<32x1024xf32, #tpu.memory_space<hbm>>
    tpu.wait_dma2 semaphore(%arg14 : memref<!tpu.dma_semaphore, #tpu.memory_space<semaphore_mem>>) src(%arg10 : memref<32x1024xf32, #tpu.memory_space<vmem>>) dst(%dma_wait3A_80 : memref<32x1024xf32, #tpu.memory_space<hbm>>)
    %barrier3A = arith.constant 0 : index
    tpu.barrier barrier_id(%barrier3A)
    %mul3A_81 = arith.constant 32 : i32
    %mul3A_82 = arith.muli %arg1, %mul3A_81 : i32
    "tpu.region"() ({
      %run_scoped3A = tpu.sem_alloc : memref<!tpu.dma_semaphore, #tpu.memory_space<semaphore_mem>>
      %dma_start3A_120 = tpu.memref_slice %arg3[%mul3A_82] : memref<512xi32, #tpu.memory_space<hbm>> -> memref<32xi32, #tpu.memory_space<hbm>>
      %dma_start3A_121 = tpu.memref_slice %arg3[%mul3A_82] : memref<512xi32, #tpu.memory_space<hbm>> -> memref<32xi32, #tpu.memory_space<hbm>>
      tpu.enqueue_dma source(%dma_start3A_121 : memref<32xi32, #tpu.memory_space<hbm>>) target(%arg6 : memref<32xi32, #tpu.memory_space<vmem>>) target_semaphore(%run_scoped3A : memref<!tpu.dma_semaphore, #tpu.memory_space<semaphore_mem>>)
      %dma_wait3A_122 = tpu.memref_slice %arg3[%mul3A_82] : memref<512xi32, #tpu.memory_space<hbm>> -> memref<32xi32, #tpu.memory_space<hbm>>
      %dma_wait3A_123 = tpu.memref_slice %arg3[%mul3A_82] : memref<512xi32, #tpu.memory_space<hbm>> -> memref<32xi32, #tpu.memory_space<hbm>>
      tpu.wait_dma2 semaphore(%run_scoped3A : memref<!tpu.dma_semaphore, #tpu.memory_space<semaphore_mem>>) src(%dma_wait3A_123 : memref<32xi32, #tpu.memory_space<hbm>>) dst(%arg6 : memref<32xi32, #tpu.memory_space<vmem>>)
      tpu.yield
    }) : () -> ()
    "tpu.region"() ({
      %run_scoped3A = tpu.sem_alloc : memref<!tpu.dma_semaphore, #tpu.memory_space<semaphore_mem>>
      %dma_start3A_120 = arith.constant 0 : i32
      %dma_start3A_121 = tpu.memref_slice %arg4[%mul3A_82, %dma_start3A_120] : memref<512x1024xf32, #tpu.memory_space<hbm>> -> memref<32x1024xf32, #tpu.memory_space<hbm>>
      %dma_start3A_122 = arith.constant 0 : i32
      %dma_start3A_123 = tpu.memref_slice %arg4[%mul3A_82, %dma_start3A_122] : memref<512x1024xf32, #tpu.memory_space<hbm>> -> memref<32x1024xf32, #tpu.memory_space<hbm>>
      tpu.enqueue_dma source(%dma_start3A_123 : memref<32x1024xf32, #tpu.memory_space<hbm>>) target(%arg8 : memref<32x1024xf32, #tpu.memory_space<vmem>>) target_semaphore(%run_scoped3A : memref<!tpu.dma_semaphore, #tpu.memory_space<semaphore_mem>>)
      %dma_wait3A_124 = arith.constant 0 : i32
      %dma_wait3A_125 = tpu.memref_slice %arg4[%mul3A_82, %dma_wait3A_124] : memref<512x1024xf32, #tpu.memory_space<hbm>> -> memref<32x1024xf32, #tpu.memory_space<hbm>>
      %dma_wait3A_126 = arith.constant 0 : i32
      %dma_wait3A_127 = tpu.memref_slice %arg4[%mul3A_82, %dma_wait3A_126] : memref<512x1024xf32, #tpu.memory_space<hbm>> -> memref<32x1024xf32, #tpu.memory_space<hbm>>
      tpu.wait_dma2 semaphore(%run_scoped3A : memref<!tpu.dma_semaphore, #tpu.memory_space<semaphore_mem>>) src(%dma_wait3A_127 : memref<32x1024xf32, #tpu.memory_space<hbm>>) dst(%arg8 : memref<32x1024xf32, #tpu.memory_space<vmem>>)
      tpu.yield
    }) : () -> ()
    %mul3A_83 = arith.constant 2048 : i32
    %mul3A_84 = arith.muli %arg0, %mul3A_83 : i32
    %get3A = arith.constant 0 : index
    %get3A_85 = tpu.vector_load %arg6[%get3A] {strides = array<i32>} : memref<32xi32, #tpu.memory_space<vmem>>, vector<16xi32>,
    %get3A_86 = vector.shape_cast %get3A_85 : vector<16xi32> to vector<16xi32>
    %ge3A = vector.broadcast %mul3A_84 : i32 to vector<16xi32>
    %ge3A_87 = arith.cmpi sge, %get3A_86, %ge3A : vector<16xi32>
    %add3A_88 = arith.constant 2048 : i32
    %add3A_89 = arith.addi %mul3A_84, %add3A_88 : i32
    %lt3A = vector.broadcast %add3A_89 : i32 to vector<16xi32>
    %lt3A_90 = arith.cmpi slt, %get3A_86, %lt3A : vector<16xi32>
    %and3A = arith.andi %ge3A_87, %lt3A_90 : vector<16xi1>
    %add3A_91 = arith.constant 4096 : i32
    %add3A_92 = arith.addi %add3A_91, %arg0 : i32
    %broadcast_in_dim3A = vector.broadcast %add3A_92 : i32 to vector<16xi32>
    %select_n3A = arith.select %and3A, %get3A_86, %broadcast_in_dim3A : vector<16xi1>, vector<16xi32>
    %swap3A = arith.constant 0 : index
    %swap3A_93 = tpu.vector_load %arg7[%swap3A] {strides = array<i32>} : memref<32xi32, #tpu.memory_space<vmem>>, vector<16xi32>,
    %swap3A_94 = vector.shape_cast %swap3A_93 : vector<16xi32> to vector<16xi32>
    %swap3A_95 = vector.shape_cast %select_n3A : vector<16xi32> to vector<16xi32>
    tpu.vector_store %arg7[%swap3A], %swap3A_95 {strides = array<i32>} : memref<32xi32, #tpu.memory_space<vmem>>, vector<16xi32>,
    %get3A_96 = arith.constant 16 : index
    %get3A_97 = tpu.vector_load %arg6[%get3A_96] {strides = array<i32>} : memref<32xi32, #tpu.memory_space<vmem>>, vector<16xi32>,
    %get3A_98 = vector.shape_cast %get3A_97 : vector<16xi32> to vector<16xi32>
    %ge3A_99 = vector.broadcast %mul3A_84 : i32 to vector<16xi32>
    %ge3A_100 = arith.cmpi sge, %get3A_98, %ge3A_99 : vector<16xi32>
    %add3A_101 = arith.constant 2048 : i32
    %add3A_102 = arith.addi %mul3A_84, %add3A_101 : i32
    %lt3A_103 = vector.broadcast %add3A_102 : i32 to vector<16xi32>
    %lt3A_104 = arith.cmpi slt, %get3A_98, %lt3A_103 : vector<16xi32>
    %and3A_105 = arith.andi %ge3A_100, %lt3A_104 : vector<16xi1>
    %add3A_106 = arith.constant 4096 : i32
    %add3A_107 = arith.addi %add3A_106, %arg0 : i32
    %broadcast_in_dim3A_108 = vector.broadcast %add3A_107 : i32 to vector<16xi32>
    %select_n3A_109 = arith.select %and3A_105, %get3A_98, %broadcast_in_dim3A_108 : vector<16xi1>, vector<16xi32>
    %swap3A_110 = arith.constant 16 : index
    %swap3A_111 = tpu.vector_load %arg7[%swap3A_110] {strides = array<i32>} : memref<32xi32, #tpu.memory_space<vmem>>, vector<16xi32>,
    %swap3A_112 = vector.shape_cast %swap3A_111 : vector<16xi32> to vector<16xi32>
    %swap3A_113 = vector.shape_cast %select_n3A_109 : vector<16xi32> to vector<16xi32>
    tpu.vector_store %arg7[%swap3A_110], %swap3A_113 {strides = array<i32>} : memref<32xi32, #tpu.memory_space<vmem>>, vector<16xi32>,
    %dma_start3A_114 = arith.constant 0 : i32
    %dma_start3A_115 = arith.constant 0 : i32
    %dma_start3A_116 = tpu.memref_slice %arg5[%dma_start3A_114, %dma_start3A_115] : memref<4104x1024xf32, #tpu.memory_space<hbm>> -> memref<4104x1024xf32, #tpu.memory_space<hbm>>
    tpu.enqueue_indirect_dma source(%arg8 : memref<32x1024xf32, #tpu.memory_space<vmem>>) target(%dma_start3A_116 : memref<4104x1024xf32, #tpu.memory_space<hbm>>) offsets(%arg7 : memref<32xi32, #tpu.memory_space<vmem>>) semaphore(%arg15 : memref<!tpu.dma_semaphore, #tpu.memory_space<semaphore_mem>>)
    %dma_wait3A_117 = arith.constant 0 : i32
    %dma_wait3A_118 = arith.constant 0 : i32
    %dma_wait3A_119 = tpu.memref_slice %arg5[%dma_wait3A_117, %dma_wait3A_118] : memref<4104x1024xf32, #tpu.memory_space<hbm>> -> memref<4104x1024xf32, #tpu.memory_space<hbm>>
    tpu.wait_indirect_dma semaphore(%arg15 : memref<!tpu.dma_semaphore, #tpu.memory_space<semaphore_mem>>) src(%arg8 : memref<32x1024xf32, #tpu.memory_space<vmem>>) dst(%dma_wait3A_119 : memref<4104x1024xf32, #tpu.memory_space<hbm>>)
    return
  }
}

module attributes {stable_mosaic.version = 14 : i64} {
  func.func @body(%arg0: i32, %arg1: memref<512x1024xf32, #tpu.memory_space<vmem>>, %arg2: memref<1024x1024xf32, #tpu.memory_space<vmem>>, %arg3: memref<1024x1024xf32, #tpu.memory_space<vmem>>, %arg4: memref<1x2048xf32, #tpu.memory_space<vmem>>, %arg5: memref<1x1024xf32, #tpu.memory_space<vmem>>, %arg6: memref<1x1024xf32, #tpu.memory_space<vmem>>, %arg7: memref<512x1xf32, #tpu.memory_space<vmem>>, %arg8: memref<1x4096xf32, #tpu.memory_space<vmem>>, %arg9: memref<512x2048xbf16, #tpu.memory_space<vmem>>, %arg10: memref<512x1xi32, #tpu.memory_space<vmem>>) attributes {dimension_semantics = [#tpu.dimension_semantics<arbitrary>], iteration_bounds = array<i64: 8>, scalar_prefetch = 0 : i64, scratch_operands = 0 : i64, tpu.core_type = #tpu.core_type<tc>, window_params = [{transform_indices = @transform_0, window_bounds = array<i64: 512, 1024>}, {pipeline_mode = #tpu.pipeline_mode<synchronous>, transform_indices = @transform_1, window_bounds = array<i64: 1024, 1024>}, {pipeline_mode = #tpu.pipeline_mode<synchronous>, transform_indices = @transform_2, window_bounds = array<i64: 1024, 1024>}, {pipeline_mode = #tpu.pipeline_mode<synchronous>, transform_indices = @transform_3, window_bounds = array<i64: 1, 2048>}, {pipeline_mode = #tpu.pipeline_mode<synchronous>, transform_indices = @transform_4, window_bounds = array<i64: 1, 1024>}, {pipeline_mode = #tpu.pipeline_mode<synchronous>, transform_indices = @transform_5, window_bounds = array<i64: 1, 1024>}, {transform_indices = @transform_6, window_bounds = array<i64: 512, 1>}, {pipeline_mode = #tpu.pipeline_mode<synchronous>, transform_indices = @transform_7, window_bounds = array<i64: 1, 4096>}, {transform_indices = @transform_8, window_bounds = array<i64: 512, 2048>}, {transform_indices = @transform_9, window_bounds = array<i64: 512, 1>}]} {
    %get3A = arith.constant 0 : index
    %get3A_0 = arith.constant 0 : index
    %get3A_1 = vector.load %arg1[%get3A, %get3A_0] : memref<512x1024xf32, #tpu.memory_space<vmem>>, vector<512x1024xf32>
    %get3A_2 = arith.constant 0 : index
    %get3A_3 = arith.constant 0 : index
    %get3A_4 = vector.load %arg5[%get3A_2, %get3A_3] : memref<1x1024xf32, #tpu.memory_space<vmem>>, vector<1x1024xf32>
    %get3A_5 = arith.constant 0 : index
    %get3A_6 = arith.constant 0 : index
    %get3A_7 = vector.load %arg6[%get3A_5, %get3A_6] : memref<1x1024xf32, #tpu.memory_space<vmem>>, vector<1x1024xf32>
    %reduce_sum3A = arith.constant dense<0.000000e+00> : vector<512xf32>
    %reduce_sum3A_8 = vector.multi_reduction <add>, %get3A_1, %reduce_sum3A [1] : vector<512x1024xf32> to vector<512xf32>
    %broadcast_in_dim3A = vector.shape_cast %reduce_sum3A_8 : vector<512xf32> to vector<512x1xf32>
    %div3A = arith.constant 1.024000e+03 : f32
    %div3A_9 = vector.broadcast %div3A : f32 to vector<512x1xf32>
    %div3A_10 = arith.divf %broadcast_in_dim3A, %div3A_9 : vector<512x1xf32>
    %sub3A = vector.broadcast %div3A_10 : vector<512x1xf32> to vector<512x1024xf32>
    %sub3A_11 = arith.subf %get3A_1, %sub3A : vector<512x1024xf32>
    %mul3A = arith.mulf %sub3A_11, %sub3A_11 : vector<512x1024xf32>
    %reduce_sum3A_12 = arith.constant dense<0.000000e+00> : vector<512xf32>
    %reduce_sum3A_13 = vector.multi_reduction <add>, %mul3A, %reduce_sum3A_12 [1] : vector<512x1024xf32> to vector<512xf32>
    %broadcast_in_dim3A_14 = vector.shape_cast %reduce_sum3A_13 : vector<512xf32> to vector<512x1xf32>
    %div3A_15 = arith.constant 1.024000e+03 : f32
    %div3A_16 = vector.broadcast %div3A_15 : f32 to vector<512x1xf32>
    %div3A_17 = arith.divf %broadcast_in_dim3A_14, %div3A_16 : vector<512x1xf32>
    %sqrt3A = math.sqrt %div3A_17 : vector<512x1xf32>
    %add3A = arith.constant 9.99999997E-7 : f32
    %add3A_18 = vector.broadcast %add3A : f32 to vector<512x1xf32>
    %add3A_19 = arith.addf %sqrt3A, %add3A_18 : vector<512x1xf32>
    %div3A_20 = vector.broadcast %add3A_19 : vector<512x1xf32> to vector<512x1024xf32>
    %div3A_21 = arith.divf %sub3A_11, %div3A_20 : vector<512x1024xf32>
    %mul3A_22 = vector.broadcast %get3A_4 : vector<1x1024xf32> to vector<512x1024xf32>
    %mul3A_23 = arith.mulf %mul3A_22, %div3A_21 : vector<512x1024xf32>
    %add3A_24 = vector.broadcast %get3A_7 : vector<1x1024xf32> to vector<512x1024xf32>
    %add3A_25 = arith.addf %mul3A_23, %add3A_24 : vector<512x1024xf32>
    %get3A_26 = arith.constant 0 : index
    %get3A_27 = arith.constant 0 : index
    %get3A_28 = vector.load %arg2[%get3A_26, %get3A_27] : memref<1024x1024xf32, #tpu.memory_space<vmem>>, vector<1024x1024xf32>
    %dot_general3A = arith.constant dense<0.000000e+00> : vector<512x1024xf32>
    %dot_general3A_29 = tpu.matmul %add3A_25, %get3A_28, %dot_general3A {dimension_numbers = #tpu.dot_dimension_numbers<[1], [0], [0], [1], [0, 0, 1, 1], [], []>, transpose_lhs_hint = false} : vector<512x1024xf32>, vector<1024x1024xf32>, vector<512x1024xf32> -> vector<512x1024xf32>
    %get3A_30 = arith.constant 0 : index
    %get3A_31 = arith.constant 0 : index
    %get3A_32 = vector.load %arg4[%get3A_30, %get3A_31] : memref<1x2048xf32, #tpu.memory_space<vmem>>, vector<1x1024xf32>
    %add3A_33 = vector.broadcast %get3A_32 : vector<1x1024xf32> to vector<512x1024xf32>
    %add3A_34 = arith.addf %dot_general3A_29, %add3A_33 : vector<512x1024xf32>
    %get3A_35 = arith.constant 0 : index
    %get3A_36 = arith.constant 0 : index
    %get3A_37 = vector.load %arg3[%get3A_35, %get3A_36] : memref<1024x1024xf32, #tpu.memory_space<vmem>>, vector<1024x1024xf32>
    %dot_general3A_38 = arith.constant dense<0.000000e+00> : vector<512x1024xf32>
    %dot_general3A_39 = tpu.matmul %add3A_25, %get3A_37, %dot_general3A_38 {dimension_numbers = #tpu.dot_dimension_numbers<[1], [0], [0], [1], [0, 0, 1, 1], [], []>, transpose_lhs_hint = false} : vector<512x1024xf32>, vector<1024x1024xf32>, vector<512x1024xf32> -> vector<512x1024xf32>
    %get3A_40 = arith.constant 0 : index
    %get3A_41 = arith.constant 1024 : index
    %get3A_42 = vector.load %arg4[%get3A_40, %get3A_41] : memref<1x2048xf32, #tpu.memory_space<vmem>>, vector<1x1024xf32>
    %add3A_43 = vector.broadcast %get3A_42 : vector<1x1024xf32> to vector<512x1024xf32>
    %add3A_44 = arith.addf %dot_general3A_39, %add3A_43 : vector<512x1024xf32>
    %convert_element_type3A = arith.truncf %add3A_34 : vector<512x1024xf32> to vector<512x1024xbf16>
    %swap3A = arith.constant 0 : index
    %swap3A_45 = arith.constant 0 : index
    %swap3A_46 = vector.load %arg9[%swap3A, %swap3A_45] : memref<512x2048xbf16, #tpu.memory_space<vmem>>, vector<512x1024xbf16>
    tpu.vector_store %arg9[%swap3A, %swap3A_45], %convert_element_type3A {strides = array<i32>} : memref<512x2048xbf16, #tpu.memory_space<vmem>>, vector<512x1024xbf16>,
    %convert_element_type3A_47 = arith.truncf %add3A_44 : vector<512x1024xf32> to vector<512x1024xbf16>
    %swap3A_48 = arith.constant 0 : index
    %swap3A_49 = arith.constant 1024 : index
    %swap3A_50 = vector.load %arg9[%swap3A_48, %swap3A_49] : memref<512x2048xbf16, #tpu.memory_space<vmem>>, vector<512x1024xbf16>
    tpu.vector_store %arg9[%swap3A_48, %swap3A_49], %convert_element_type3A_47 {strides = array<i32>} : memref<512x2048xbf16, #tpu.memory_space<vmem>>, vector<512x1024xbf16>,
    %get3A_51 = arith.constant 0 : index
    %get3A_52 = arith.constant 0 : index
    %get3A_53 = vector.load %arg7[%get3A_51, %get3A_52] : memref<512x1xf32, #tpu.memory_space<vmem>>, vector<512x1xf32>
    %get3A_54 = arith.constant 0 : index
    %get3A_55 = arith.constant 0 : index
    %get3A_56 = vector.load %arg8[%get3A_54, %get3A_55] : memref<1x4096xf32, #tpu.memory_space<vmem>>, vector<1x4096xf32>
    %iota3A = tpu.iota {dimensions = array<i32: 0>} : vector<512x1xi32>
    %mul3A_57 = arith.constant 512 : i32
    %mul3A_58 = arith.muli %arg0, %mul3A_57 : i32
    %add3A_59 = vector.broadcast %mul3A_58 : i32 to vector<512x1xi32>
    %add3A_60 = arith.addi %iota3A, %add3A_59 : vector<512x1xi32>
    %iota3A_61 = tpu.iota {dimensions = array<i32: 1>} : vector<1x4096xi32>
    %gt3A = vector.broadcast %get3A_56 : vector<1x4096xf32> to vector<512x4096xf32>
    %gt3A_62 = vector.broadcast %get3A_53 : vector<512x1xf32> to vector<512x4096xf32>
    %gt3A_63 = arith.cmpf ogt, %gt3A, %gt3A_62 : vector<512x4096xf32>
    %eq3A = vector.broadcast %get3A_56 : vector<1x4096xf32> to vector<512x4096xf32>
    %eq3A_64 = vector.broadcast %get3A_53 : vector<512x1xf32> to vector<512x4096xf32>
    %eq3A_65 = arith.cmpf oeq, %eq3A, %eq3A_64 : vector<512x4096xf32>
    %lt3A = vector.broadcast %iota3A_61 : vector<1x4096xi32> to vector<512x4096xi32>
    %lt3A_66 = vector.broadcast %add3A_60 : vector<512x1xi32> to vector<512x4096xi32>
    %lt3A_67 = arith.cmpi slt, %lt3A, %lt3A_66 : vector<512x4096xi32>
    %and3A = arith.andi %eq3A_65, %lt3A_67 : vector<512x4096xi1>
    %or3A = arith.ori %gt3A_63, %and3A : vector<512x4096xi1>
    %convert_element_type3A_68 = arith.extui %or3A : vector<512x4096xi1> to vector<512x4096xi32>
    %reduce_sum3A_69 = arith.constant dense<0> : vector<512xi32>
    %reduce_sum3A_70 = vector.multi_reduction <add>, %convert_element_type3A_68, %reduce_sum3A_69 [1] : vector<512x4096xi32> to vector<512xi32>
    %broadcast_in_dim3A_71 = vector.shape_cast %reduce_sum3A_70 : vector<512xi32> to vector<512x1xi32>
    %swap3A_72 = arith.constant 0 : index
    %swap3A_73 = arith.constant 0 : index
    %swap3A_74 = vector.load %arg10[%swap3A_72, %swap3A_73] : memref<512x1xi32, #tpu.memory_space<vmem>>, vector<512x1xi32>
    tpu.vector_store %arg10[%swap3A_72, %swap3A_73], %broadcast_in_dim3A_71 {strides = array<i32>} : memref<512x1xi32, #tpu.memory_space<vmem>>, vector<512x1xi32>,
    return
  }
  func.func @transform_0(%arg0: i32) -> (i32, i32) {
    %c0_i32 = arith.constant 0 : i32
    %c0_i32_0 = arith.constant 0 : i32
    return %arg0, %c0_i32 : i32, i32
  }
  func.func @transform_1(%arg0: i32) -> (i32, i32) {
    %c0_i32 = arith.constant 0 : i32
    %c0_i32_0 = arith.constant 0 : i32
    %c0_i32_1 = arith.constant 0 : i32
    return %c0_i32, %c0_i32_0 : i32, i32
  }
  func.func @transform_2(%arg0: i32) -> (i32, i32) {
    %c0_i32 = arith.constant 0 : i32
    %c0_i32_0 = arith.constant 0 : i32
    %c0_i32_1 = arith.constant 0 : i32
    return %c0_i32, %c0_i32_0 : i32, i32
  }
  func.func @transform_3(%arg0: i32) -> (i32, i32) {
    %c0_i32 = arith.constant 0 : i32
    %c0_i32_0 = arith.constant 0 : i32
    %c0_i32_1 = arith.constant 0 : i32
    return %c0_i32, %c0_i32_0 : i32, i32
  }
  func.func @transform_4(%arg0: i32) -> (i32, i32) {
    %c0_i32 = arith.constant 0 : i32
    %c0_i32_0 = arith.constant 0 : i32
    %c0_i32_1 = arith.constant 0 : i32
    return %c0_i32, %c0_i32_0 : i32, i32
  }
  func.func @transform_5(%arg0: i32) -> (i32, i32) {
    %c0_i32 = arith.constant 0 : i32
    %c0_i32_0 = arith.constant 0 : i32
    %c0_i32_1 = arith.constant 0 : i32
    return %c0_i32, %c0_i32_0 : i32, i32
  }
  func.func @transform_6(%arg0: i32) -> (i32, i32) {
    %c0_i32 = arith.constant 0 : i32
    %c0_i32_0 = arith.constant 0 : i32
    return %arg0, %c0_i32 : i32, i32
  }
  func.func @transform_7(%arg0: i32) -> (i32, i32) {
    %c0_i32 = arith.constant 0 : i32
    %c0_i32_0 = arith.constant 0 : i32
    %c0_i32_1 = arith.constant 0 : i32
    return %c0_i32, %c0_i32_0 : i32, i32
  }
  func.func @transform_8(%arg0: i32) -> (i32, i32) {
    %c0_i32 = arith.constant 0 : i32
    %c0_i32_0 = arith.constant 0 : i32
    return %arg0, %c0_i32 : i32, i32
  }
  func.func @transform_9(%arg0: i32) -> (i32, i32) {
    %c0_i32 = arith.constant 0 : i32
    %c0_i32_0 = arith.constant 0 : i32
    return %arg0, %c0_i32 : i32, i32
  }
}

module attributes {stable_mosaic.version = 14 : i64} {
  func.func @body(%arg0: i32, %arg1: memref<512x1024xf32, #tpu.memory_space<vmem>>, %arg2: memref<1024x1024xbf16, #tpu.memory_space<vmem>>, %arg3: memref<1x1024xf32, #tpu.memory_space<vmem>>, %arg4: memref<1x1024xf32, #tpu.memory_space<vmem>>, %arg5: memref<1x1024xf32, #tpu.memory_space<vmem>>, %arg6: memref<4096x128xbf16, #tpu.memory_space<vmem>>, %arg7: memref<4096x128xbf16, #tpu.memory_space<vmem>>, %arg8: memref<1024x1024xbf16, #tpu.memory_space<vmem>>, %arg9: memref<1x1024xf32, #tpu.memory_space<vmem>>, %arg10: memref<2x512x4096xf32, #tpu.memory_space<vmem>>, %arg11: memref<512x1024xf32, #tpu.memory_space<vmem>>, %arg12: memref<8x512x128xbf16, #tpu.memory_space<vmem>>, %arg13: memref<8x512x128xf32, #tpu.memory_space<vmem>>) attributes {dimension_semantics = [#tpu.dimension_semantics<arbitrary>], iteration_bounds = array<i64: 8>, scalar_prefetch = 0 : i64, scratch_operands = 2 : i64, tpu.core_type = #tpu.core_type<tc>, window_params = [{pipeline_mode = #tpu.pipeline_mode<synchronous>, transform_indices = @transform_0, window_bounds = array<i64: 512, 1024>}, {pipeline_mode = #tpu.pipeline_mode<synchronous>, transform_indices = @transform_1, window_bounds = array<i64: 1024, 1024>}, {pipeline_mode = #tpu.pipeline_mode<synchronous>, transform_indices = @transform_2, window_bounds = array<i64: 1, 1024>}, {pipeline_mode = #tpu.pipeline_mode<synchronous>, transform_indices = @transform_3, window_bounds = array<i64: 1, 1024>}, {pipeline_mode = #tpu.pipeline_mode<synchronous>, transform_indices = @transform_4, window_bounds = array<i64: 1, 1024>}, {transform_indices = @transform_5, window_bounds = array<i64: 4096, 128>}, {transform_indices = @transform_6, window_bounds = array<i64: 4096, 128>}, {pipeline_mode = #tpu.pipeline_mode<synchronous>, transform_indices = @transform_7, window_bounds = array<i64: 1024, 1024>}, {pipeline_mode = #tpu.pipeline_mode<synchronous>, transform_indices = @transform_8, window_bounds = array<i64: 1, 1024>}, {transform_indices = @transform_9, window_bounds = array<i64: 2, 512, 4096>}, {pipeline_mode = #tpu.pipeline_mode<synchronous>, transform_indices = @transform_10, window_bounds = array<i64: 512, 1024>}]} {
    %eq3A = arith.constant 0 : i32
    %eq3A_0 = arith.cmpi eq, %arg0, %eq3A : i32
    %convert_element_type3A = arith.extui %eq3A_0 : i1 to i32
    %cond3A = arith.constant 0 : i32
    %cond3A_1 = arith.cmpi ne, %convert_element_type3A, %cond3A : i32
    scf.if %cond3A_1 {
      %get3A_71 = arith.constant 0 : index
      %get3A_72 = arith.constant 0 : index
      %get3A_73 = vector.load %arg1[%get3A_71, %get3A_72] : memref<512x1024xf32, #tpu.memory_space<vmem>>, vector<512x1024xf32>
      %get3A_74 = arith.constant 0 : index
      %get3A_75 = arith.constant 0 : index
      %get3A_76 = vector.load %arg4[%get3A_74, %get3A_75] : memref<1x1024xf32, #tpu.memory_space<vmem>>, vector<1x1024xf32>
      %get3A_77 = arith.constant 0 : index
      %get3A_78 = arith.constant 0 : index
      %get3A_79 = vector.load %arg5[%get3A_77, %get3A_78] : memref<1x1024xf32, #tpu.memory_space<vmem>>, vector<1x1024xf32>
      %reduce_sum3A_80 = arith.constant dense<0.000000e+00> : vector<512xf32>
      %reduce_sum3A_81 = vector.multi_reduction <add>, %get3A_73, %reduce_sum3A_80 [1] : vector<512x1024xf32> to vector<512xf32>
      %broadcast_in_dim3A_82 = vector.shape_cast %reduce_sum3A_81 : vector<512xf32> to vector<512x1xf32>
      %div3A_83 = arith.constant 1.024000e+03 : f32
      %div3A_84 = vector.broadcast %div3A_83 : f32 to vector<512x1xf32>
      %div3A_85 = arith.divf %broadcast_in_dim3A_82, %div3A_84 : vector<512x1xf32>
      %sub3A = vector.broadcast %div3A_85 : vector<512x1xf32> to vector<512x1024xf32>
      %sub3A_86 = arith.subf %get3A_73, %sub3A : vector<512x1024xf32>
      %mul3A_87 = arith.mulf %sub3A_86, %sub3A_86 : vector<512x1024xf32>
      %reduce_sum3A_88 = arith.constant dense<0.000000e+00> : vector<512xf32>
      %reduce_sum3A_89 = vector.multi_reduction <add>, %mul3A_87, %reduce_sum3A_88 [1] : vector<512x1024xf32> to vector<512xf32>
      %broadcast_in_dim3A_90 = vector.shape_cast %reduce_sum3A_89 : vector<512xf32> to vector<512x1xf32>
      %div3A_91 = arith.constant 1.024000e+03 : f32
      %div3A_92 = vector.broadcast %div3A_91 : f32 to vector<512x1xf32>
      %div3A_93 = arith.divf %broadcast_in_dim3A_90, %div3A_92 : vector<512x1xf32>
      %sqrt3A = math.sqrt %div3A_93 : vector<512x1xf32>
      %add3A = arith.constant 9.99999997E-7 : f32
      %add3A_94 = vector.broadcast %add3A : f32 to vector<512x1xf32>
      %add3A_95 = arith.addf %sqrt3A, %add3A_94 : vector<512x1xf32>
      %div3A_96 = vector.broadcast %add3A_95 : vector<512x1xf32> to vector<512x1024xf32>
      %div3A_97 = arith.divf %sub3A_86, %div3A_96 : vector<512x1024xf32>
      %mul3A_98 = vector.broadcast %get3A_76 : vector<1x1024xf32> to vector<512x1024xf32>
      %mul3A_99 = arith.mulf %mul3A_98, %div3A_97 : vector<512x1024xf32>
      %add3A_100 = vector.broadcast %get3A_79 : vector<1x1024xf32> to vector<512x1024xf32>
      %add3A_101 = arith.addf %mul3A_99, %add3A_100 : vector<512x1024xf32>
      %convert_element_type3A_102 = arith.truncf %add3A_101 : vector<512x1024xf32> to vector<512x1024xbf16>
      %get3A_103 = arith.constant 0 : index
      %get3A_104 = arith.constant 0 : index
      %get3A_105 = vector.load %arg2[%get3A_103, %get3A_104] : memref<1024x1024xbf16, #tpu.memory_space<vmem>>, vector<1024x1024xbf16>
      %dot_general3A_106 = arith.constant dense<0.000000e+00> : vector<512x1024xf32>
      %dot_general3A_107 = tpu.matmul %convert_element_type3A_102, %get3A_105, %dot_general3A_106 {dimension_numbers = #tpu.dot_dimension_numbers<[1], [0], [0], [1], [0, 0, 1, 1], [], []>, transpose_lhs_hint = false} : vector<512x1024xbf16>, vector<1024x1024xbf16>, vector<512x1024xf32> -> vector<512x1024xf32>
      %get3A_108 = arith.constant 0 : index
      %get3A_109 = arith.constant 0 : index
      %get3A_110 = vector.load %arg3[%get3A_108, %get3A_109] : memref<1x1024xf32, #tpu.memory_space<vmem>>, vector<1x1024xf32>
      %add3A_111 = vector.broadcast %get3A_110 : vector<1x1024xf32> to vector<512x1024xf32>
      %add3A_112 = arith.addf %dot_general3A_107, %add3A_111 : vector<512x1024xf32>
      %convert_element_type3A_113 = arith.truncf %add3A_112 : vector<512x1024xf32> to vector<512x1024xbf16>
      %slice3A_114 = vector.extract_strided_slice %convert_element_type3A_113 {offsets = [0, 0], sizes = [512, 128], strides = [1, 1]} : vector<512x1024xbf16> to vector<512x128xbf16>
      %swap3A_115 = arith.constant 0 : index
      %swap3A_116 = arith.constant 0 : index
      %swap3A_117 = arith.constant 0 : index
      %swap3A_118 = vector.load %arg12[%swap3A_115, %swap3A_116, %swap3A_117] : memref<8x512x128xbf16, #tpu.memory_space<vmem>>, vector<1x512x128xbf16>
      %swap3A_119 = vector.shape_cast %swap3A_118 : vector<1x512x128xbf16> to vector<512x128xbf16>
      %swap3A_120 = vector.shape_cast %slice3A_114 : vector<512x128xbf16> to vector<1x512x128xbf16>
      tpu.vector_store %arg12[%swap3A_115, %swap3A_116, %swap3A_117], %swap3A_120 {strides = array<i32>} : memref<8x512x128xbf16, #tpu.memory_space<vmem>>, vector<1x512x128xbf16>,
      %slice3A_121 = vector.extract_strided_slice %convert_element_type3A_113 {offsets = [0, 128], sizes = [512, 128], strides = [1, 1]} : vector<512x1024xbf16> to vector<512x128xbf16>
      %swap3A_122 = arith.constant 1 : index
      %swap3A_123 = arith.constant 0 : index
      %swap3A_124 = arith.constant 0 : index
      %swap3A_125 = vector.load %arg12[%swap3A_122, %swap3A_123, %swap3A_124] : memref<8x512x128xbf16, #tpu.memory_space<vmem>>, vector<1x512x128xbf16>
      %swap3A_126 = vector.shape_cast %swap3A_125 : vector<1x512x128xbf16> to vector<512x128xbf16>
      %swap3A_127 = vector.shape_cast %slice3A_121 : vector<512x128xbf16> to vector<1x512x128xbf16>
      tpu.vector_store %arg12[%swap3A_122, %swap3A_123, %swap3A_124], %swap3A_127 {strides = array<i32>} : memref<8x512x128xbf16, #tpu.memory_space<vmem>>, vector<1x512x128xbf16>,
      %slice3A_128 = vector.extract_strided_slice %convert_element_type3A_113 {offsets = [0, 256], sizes = [512, 128], strides = [1, 1]} : vector<512x1024xbf16> to vector<512x128xbf16>
      %swap3A_129 = arith.constant 2 : index
      %swap3A_130 = arith.constant 0 : index
      %swap3A_131 = arith.constant 0 : index
      %swap3A_132 = vector.load %arg12[%swap3A_129, %swap3A_130, %swap3A_131] : memref<8x512x128xbf16, #tpu.memory_space<vmem>>, vector<1x512x128xbf16>
      %swap3A_133 = vector.shape_cast %swap3A_132 : vector<1x512x128xbf16> to vector<512x128xbf16>
      %swap3A_134 = vector.shape_cast %slice3A_128 : vector<512x128xbf16> to vector<1x512x128xbf16>
      tpu.vector_store %arg12[%swap3A_129, %swap3A_130, %swap3A_131], %swap3A_134 {strides = array<i32>} : memref<8x512x128xbf16, #tpu.memory_space<vmem>>, vector<1x512x128xbf16>,
      %slice3A_135 = vector.extract_strided_slice %convert_element_type3A_113 {offsets = [0, 384], sizes = [512, 128], strides = [1, 1]} : vector<512x1024xbf16> to vector<512x128xbf16>
      %swap3A_136 = arith.constant 3 : index
      %swap3A_137 = arith.constant 0 : index
      %swap3A_138 = arith.constant 0 : index
      %swap3A_139 = vector.load %arg12[%swap3A_136, %swap3A_137, %swap3A_138] : memref<8x512x128xbf16, #tpu.memory_space<vmem>>, vector<1x512x128xbf16>
      %swap3A_140 = vector.shape_cast %swap3A_139 : vector<1x512x128xbf16> to vector<512x128xbf16>
      %swap3A_141 = vector.shape_cast %slice3A_135 : vector<512x128xbf16> to vector<1x512x128xbf16>
      tpu.vector_store %arg12[%swap3A_136, %swap3A_137, %swap3A_138], %swap3A_141 {strides = array<i32>} : memref<8x512x128xbf16, #tpu.memory_space<vmem>>, vector<1x512x128xbf16>,
      %slice3A_142 = vector.extract_strided_slice %convert_element_type3A_113 {offsets = [0, 512], sizes = [512, 128], strides = [1, 1]} : vector<512x1024xbf16> to vector<512x128xbf16>
      %swap3A_143 = arith.constant 4 : index
      %swap3A_144 = arith.constant 0 : index
      %swap3A_145 = arith.constant 0 : index
      %swap3A_146 = vector.load %arg12[%swap3A_143, %swap3A_144, %swap3A_145] : memref<8x512x128xbf16, #tpu.memory_space<vmem>>, vector<1x512x128xbf16>
      %swap3A_147 = vector.shape_cast %swap3A_146 : vector<1x512x128xbf16> to vector<512x128xbf16>
      %swap3A_148 = vector.shape_cast %slice3A_142 : vector<512x128xbf16> to vector<1x512x128xbf16>
      tpu.vector_store %arg12[%swap3A_143, %swap3A_144, %swap3A_145], %swap3A_148 {strides = array<i32>} : memref<8x512x128xbf16, #tpu.memory_space<vmem>>, vector<1x512x128xbf16>,
      %slice3A_149 = vector.extract_strided_slice %convert_element_type3A_113 {offsets = [0, 640], sizes = [512, 128], strides = [1, 1]} : vector<512x1024xbf16> to vector<512x128xbf16>
      %swap3A_150 = arith.constant 5 : index
      %swap3A_151 = arith.constant 0 : index
      %swap3A_152 = arith.constant 0 : index
      %swap3A_153 = vector.load %arg12[%swap3A_150, %swap3A_151, %swap3A_152] : memref<8x512x128xbf16, #tpu.memory_space<vmem>>, vector<1x512x128xbf16>
      %swap3A_154 = vector.shape_cast %swap3A_153 : vector<1x512x128xbf16> to vector<512x128xbf16>
      %swap3A_155 = vector.shape_cast %slice3A_149 : vector<512x128xbf16> to vector<1x512x128xbf16>
      tpu.vector_store %arg12[%swap3A_150, %swap3A_151, %swap3A_152], %swap3A_155 {strides = array<i32>} : memref<8x512x128xbf16, #tpu.memory_space<vmem>>, vector<1x512x128xbf16>,
      %slice3A_156 = vector.extract_strided_slice %convert_element_type3A_113 {offsets = [0, 768], sizes = [512, 128], strides = [1, 1]} : vector<512x1024xbf16> to vector<512x128xbf16>
      %swap3A_157 = arith.constant 6 : index
      %swap3A_158 = arith.constant 0 : index
      %swap3A_159 = arith.constant 0 : index
      %swap3A_160 = vector.load %arg12[%swap3A_157, %swap3A_158, %swap3A_159] : memref<8x512x128xbf16, #tpu.memory_space<vmem>>, vector<1x512x128xbf16>
      %swap3A_161 = vector.shape_cast %swap3A_160 : vector<1x512x128xbf16> to vector<512x128xbf16>
      %swap3A_162 = vector.shape_cast %slice3A_156 : vector<512x128xbf16> to vector<1x512x128xbf16>
      tpu.vector_store %arg12[%swap3A_157, %swap3A_158, %swap3A_159], %swap3A_162 {strides = array<i32>} : memref<8x512x128xbf16, #tpu.memory_space<vmem>>, vector<1x512x128xbf16>,
      %slice3A_163 = vector.extract_strided_slice %convert_element_type3A_113 {offsets = [0, 896], sizes = [512, 128], strides = [1, 1]} : vector<512x1024xbf16> to vector<512x128xbf16>
      %swap3A_164 = arith.constant 7 : index
      %swap3A_165 = arith.constant 0 : index
      %swap3A_166 = arith.constant 0 : index
      %swap3A_167 = vector.load %arg12[%swap3A_164, %swap3A_165, %swap3A_166] : memref<8x512x128xbf16, #tpu.memory_space<vmem>>, vector<1x512x128xbf16>
      %swap3A_168 = vector.shape_cast %swap3A_167 : vector<1x512x128xbf16> to vector<512x128xbf16>
      %swap3A_169 = vector.shape_cast %slice3A_163 : vector<512x128xbf16> to vector<1x512x128xbf16>
      tpu.vector_store %arg12[%swap3A_164, %swap3A_165, %swap3A_166], %swap3A_169 {strides = array<i32>} : memref<8x512x128xbf16, #tpu.memory_space<vmem>>, vector<1x512x128xbf16>,
    } else {
    }
    %get3A = arith.index_cast %arg0 : i32 to index
    %get3A_2 = arith.constant 0 : index
    %get3A_3 = arith.constant 0 : index
    %get3A_4 = vector.load %arg12[%get3A, %get3A_2, %get3A_3] : memref<8x512x128xbf16, #tpu.memory_space<vmem>>, vector<1x512x128xbf16>
    %get3A_5 = vector.shape_cast %get3A_4 : vector<1x512x128xbf16> to vector<512x128xbf16>
    %slice3A = vector.extract_strided_slice %get3A_5 {offsets = [0, 0], sizes = [512, 64], strides = [1, 1]} : vector<512x128xbf16> to vector<512x64xbf16>
    %get3A_6 = arith.constant 0 : index
    %get3A_7 = arith.constant 0 : index
    %get3A_8 = vector.load %arg6[%get3A_6, %get3A_7] : memref<4096x128xbf16, #tpu.memory_space<vmem>>, vector<4096x64xbf16>
    %dot_general3A = arith.constant dense<0.000000e+00> : vector<512x4096xf32>
    %dot_general3A_9 = tpu.matmul %slice3A, %get3A_8, %dot_general3A {dimension_numbers = #tpu.dot_dimension_numbers<[1], [1], [0], [0], [0, 0, 1, 0], [], []>, transpose_lhs_hint = false} : vector<512x64xbf16>, vector<4096x64xbf16>, vector<512x4096xf32> -> vector<512x4096xf32>
    %mul3A = arith.constant 1.250000e-01 : f32
    %mul3A_10 = vector.broadcast %mul3A : f32 to vector<512x4096xf32>
    %mul3A_11 = arith.mulf %dot_general3A_9, %mul3A_10 : vector<512x4096xf32>
    %exp3A = math.exp %mul3A_11 : vector<512x4096xf32>
    %reduce_sum3A = arith.constant dense<0.000000e+00> : vector<512xf32>
    %reduce_sum3A_12 = vector.multi_reduction <add>, %exp3A, %reduce_sum3A [1] : vector<512x4096xf32> to vector<512xf32>
    %broadcast_in_dim3A = vector.shape_cast %reduce_sum3A_12 : vector<512xf32> to vector<512x1xf32>
    %div3A = vector.broadcast %broadcast_in_dim3A : vector<512x1xf32> to vector<512x4096xf32>
    %div3A_13 = arith.divf %exp3A, %div3A : vector<512x4096xf32>
    %swap3A = arith.constant 0 : index
    %swap3A_14 = arith.constant 0 : index
    %swap3A_15 = arith.constant 0 : index
    %swap3A_16 = vector.load %arg10[%swap3A, %swap3A_14, %swap3A_15] : memref<2x512x4096xf32, #tpu.memory_space<vmem>>, vector<1x512x4096xf32>
    %swap3A_17 = vector.shape_cast %swap3A_16 : vector<1x512x4096xf32> to vector<512x4096xf32>
    %swap3A_18 = vector.shape_cast %div3A_13 : vector<512x4096xf32> to vector<1x512x4096xf32>
    tpu.vector_store %arg10[%swap3A, %swap3A_14, %swap3A_15], %swap3A_18 {strides = array<i32>} : memref<2x512x4096xf32, #tpu.memory_space<vmem>>, vector<1x512x4096xf32>,
    %convert_element_type3A_19 = arith.truncf %div3A_13 : vector<512x4096xf32> to vector<512x4096xbf16>
    %get3A_20 = arith.constant 0 : index
    %get3A_21 = arith.constant 0 : index
    %get3A_22 = vector.load %arg7[%get3A_20, %get3A_21] : memref<4096x128xbf16, #tpu.memory_space<vmem>>, vector<4096x128xbf16>
    %slice3A_23 = vector.extract_strided_slice %get3A_22 {offsets = [0, 0], sizes = [4096, 64], strides = [1, 1]} : vector<4096x128xbf16> to vector<4096x64xbf16>
    %dot_general3A_24 = arith.constant dense<0.000000e+00> : vector<512x64xf32>
    %dot_general3A_25 = tpu.matmul %convert_element_type3A_19, %slice3A_23, %dot_general3A_24 {dimension_numbers = #tpu.dot_dimension_numbers<[1], [0], [0], [1], [0, 0, 1, 1], [], []>, transpose_lhs_hint = false} : vector<512x4096xbf16>, vector<4096x64xbf16>, vector<512x64xf32> -> vector<512x64xf32>
    %swap3A_26 = arith.index_cast %arg0 : i32 to index
    %swap3A_27 = arith.constant 0 : index
    %swap3A_28 = arith.constant 0 : index
    %swap3A_29 = vector.load %arg13[%swap3A_26, %swap3A_27, %swap3A_28] : memref<8x512x128xf32, #tpu.memory_space<vmem>>, vector<1x512x64xf32>
    %swap3A_30 = vector.shape_cast %swap3A_29 : vector<1x512x64xf32> to vector<512x64xf32>
    %swap3A_31 = vector.shape_cast %dot_general3A_25 : vector<512x64xf32> to vector<1x512x64xf32>
    tpu.vector_store %arg13[%swap3A_26, %swap3A_27, %swap3A_28], %swap3A_31 {strides = array<i32>} : memref<8x512x128xf32, #tpu.memory_space<vmem>>, vector<1x512x64xf32>,
    %slice3A_32 = vector.extract_strided_slice %get3A_5 {offsets = [0, 64], sizes = [512, 64], strides = [1, 1]} : vector<512x128xbf16> to vector<512x64xbf16>
    %get3A_33 = arith.constant 0 : index
    %get3A_34 = arith.constant 64 : index
    %get3A_35 = vector.load %arg6[%get3A_33, %get3A_34] : memref<4096x128xbf16, #tpu.memory_space<vmem>>, vector<4096x64xbf16>
    %dot_general3A_36 = arith.constant dense<0.000000e+00> : vector<512x4096xf32>
    %dot_general3A_37 = tpu.matmul %slice3A_32, %get3A_35, %dot_general3A_36 {dimension_numbers = #tpu.dot_dimension_numbers<[1], [1], [0], [0], [0, 0, 1, 0], [], []>, transpose_lhs_hint = false} : vector<512x64xbf16>, vector<4096x64xbf16>, vector<512x4096xf32> -> vector<512x4096xf32>
    %mul3A_38 = arith.constant 1.250000e-01 : f32
    %mul3A_39 = vector.broadcast %mul3A_38 : f32 to vector<512x4096xf32>
    %mul3A_40 = arith.mulf %dot_general3A_37, %mul3A_39 : vector<512x4096xf32>
    %exp3A_41 = math.exp %mul3A_40 : vector<512x4096xf32>
    %reduce_sum3A_42 = arith.constant dense<0.000000e+00> : vector<512xf32>
    %reduce_sum3A_43 = vector.multi_reduction <add>, %exp3A_41, %reduce_sum3A_42 [1] : vector<512x4096xf32> to vector<512xf32>
    %broadcast_in_dim3A_44 = vector.shape_cast %reduce_sum3A_43 : vector<512xf32> to vector<512x1xf32>
    %div3A_45 = vector.broadcast %broadcast_in_dim3A_44 : vector<512x1xf32> to vector<512x4096xf32>
    %div3A_46 = arith.divf %exp3A_41, %div3A_45 : vector<512x4096xf32>
    %swap3A_47 = arith.constant 1 : index
    %swap3A_48 = arith.constant 0 : index
    %swap3A_49 = arith.constant 0 : index
    %swap3A_50 = vector.load %arg10[%swap3A_47, %swap3A_48, %swap3A_49] : memref<2x512x4096xf32, #tpu.memory_space<vmem>>, vector<1x512x4096xf32>
    %swap3A_51 = vector.shape_cast %swap3A_50 : vector<1x512x4096xf32> to vector<512x4096xf32>
    %swap3A_52 = vector.shape_cast %div3A_46 : vector<512x4096xf32> to vector<1x512x4096xf32>
    tpu.vector_store %arg10[%swap3A_47, %swap3A_48, %swap3A_49], %swap3A_52 {strides = array<i32>} : memref<2x512x4096xf32, #tpu.memory_space<vmem>>, vector<1x512x4096xf32>,
    %convert_element_type3A_53 = arith.truncf %div3A_46 : vector<512x4096xf32> to vector<512x4096xbf16>
    %get3A_54 = arith.constant 0 : index
    %get3A_55 = arith.constant 0 : index
    %get3A_56 = vector.load %arg7[%get3A_54, %get3A_55] : memref<4096x128xbf16, #tpu.memory_space<vmem>>, vector<4096x128xbf16>
    %slice3A_57 = vector.extract_strided_slice %get3A_56 {offsets = [0, 64], sizes = [4096, 64], strides = [1, 1]} : vector<4096x128xbf16> to vector<4096x64xbf16>
    %dot_general3A_58 = arith.constant dense<0.000000e+00> : vector<512x64xf32>
    %dot_general3A_59 = tpu.matmul %convert_element_type3A_53, %slice3A_57, %dot_general3A_58 {dimension_numbers = #tpu.dot_dimension_numbers<[1], [0], [0], [1], [0, 0, 1, 1], [], []>, transpose_lhs_hint = false} : vector<512x4096xbf16>, vector<4096x64xbf16>, vector<512x64xf32> -> vector<512x64xf32>
    %swap3A_60 = arith.index_cast %arg0 : i32 to index
    %swap3A_61 = arith.constant 0 : index
    %swap3A_62 = arith.constant 64 : index
    %swap3A_63 = vector.load %arg13[%swap3A_60, %swap3A_61, %swap3A_62] : memref<8x512x128xf32, #tpu.memory_space<vmem>>, vector<1x512x64xf32>
    %swap3A_64 = vector.shape_cast %swap3A_63 : vector<1x512x64xf32> to vector<512x64xf32>
    %swap3A_65 = vector.shape_cast %dot_general3A_59 : vector<512x64xf32> to vector<1x512x64xf32>
    tpu.vector_store %arg13[%swap3A_60, %swap3A_61, %swap3A_62], %swap3A_65 {strides = array<i32>} : memref<8x512x128xf32, #tpu.memory_space<vmem>>, vector<1x512x64xf32>,
    %eq3A_66 = arith.constant 7 : i32
    %eq3A_67 = arith.cmpi eq, %arg0, %eq3A_66 : i32
    %convert_element_type3A_68 = arith.extui %eq3A_67 : i1 to i32
    %cond3A_69 = arith.constant 0 : i32
    %cond3A_70 = arith.cmpi ne, %convert_element_type3A_68, %cond3A_69 : i32
    scf.if %cond3A_70 {
      %get3A_71 = arith.constant 0 : index
      %get3A_72 = arith.constant 0 : index
      %get3A_73 = arith.constant 0 : index
      %get3A_74 = vector.load %arg13[%get3A_71, %get3A_72, %get3A_73] : memref<8x512x128xf32, #tpu.memory_space<vmem>>, vector<1x512x128xf32>
      %get3A_75 = vector.shape_cast %get3A_74 : vector<1x512x128xf32> to vector<512x128xf32>
      %get3A_76 = arith.constant 1 : index
      %get3A_77 = arith.constant 0 : index
      %get3A_78 = arith.constant 0 : index
      %get3A_79 = vector.load %arg13[%get3A_76, %get3A_77, %get3A_78] : memref<8x512x128xf32, #tpu.memory_space<vmem>>, vector<1x512x128xf32>
      %get3A_80 = vector.shape_cast %get3A_79 : vector<1x512x128xf32> to vector<512x128xf32>
      %get3A_81 = arith.constant 2 : index
      %get3A_82 = arith.constant 0 : index
      %get3A_83 = arith.constant 0 : index
      %get3A_84 = vector.load %arg13[%get3A_81, %get3A_82, %get3A_83] : memref<8x512x128xf32, #tpu.memory_space<vmem>>, vector<1x512x128xf32>
      %get3A_85 = vector.shape_cast %get3A_84 : vector<1x512x128xf32> to vector<512x128xf32>
      %get3A_86 = arith.constant 3 : index
      %get3A_87 = arith.constant 0 : index
      %get3A_88 = arith.constant 0 : index
      %get3A_89 = vector.load %arg13[%get3A_86, %get3A_87, %get3A_88] : memref<8x512x128xf32, #tpu.memory_space<vmem>>, vector<1x512x128xf32>
      %get3A_90 = vector.shape_cast %get3A_89 : vector<1x512x128xf32> to vector<512x128xf32>
      %get3A_91 = arith.constant 4 : index
      %get3A_92 = arith.constant 0 : index
      %get3A_93 = arith.constant 0 : index
      %get3A_94 = vector.load %arg13[%get3A_91, %get3A_92, %get3A_93] : memref<8x512x128xf32, #tpu.memory_space<vmem>>, vector<1x512x128xf32>
      %get3A_95 = vector.shape_cast %get3A_94 : vector<1x512x128xf32> to vector<512x128xf32>
      %get3A_96 = arith.constant 5 : index
      %get3A_97 = arith.constant 0 : index
      %get3A_98 = arith.constant 0 : index
      %get3A_99 = vector.load %arg13[%get3A_96, %get3A_97, %get3A_98] : memref<8x512x128xf32, #tpu.memory_space<vmem>>, vector<1x512x128xf32>
      %get3A_100 = vector.shape_cast %get3A_99 : vector<1x512x128xf32> to vector<512x128xf32>
      %get3A_101 = arith.constant 6 : index
      %get3A_102 = arith.constant 0 : index
      %get3A_103 = arith.constant 0 : index
      %get3A_104 = vector.load %arg13[%get3A_101, %get3A_102, %get3A_103] : memref<8x512x128xf32, #tpu.memory_space<vmem>>, vector<1x512x128xf32>
      %get3A_105 = vector.shape_cast %get3A_104 : vector<1x512x128xf32> to vector<512x128xf32>
      %get3A_106 = arith.constant 7 : index
      %get3A_107 = arith.constant 0 : index
      %get3A_108 = arith.constant 0 : index
      %get3A_109 = vector.load %arg13[%get3A_106, %get3A_107, %get3A_108] : memref<8x512x128xf32, #tpu.memory_space<vmem>>, vector<1x512x128xf32>
      %get3A_110 = vector.shape_cast %get3A_109 : vector<1x512x128xf32> to vector<512x128xf32>
      %concatenate3A = tpu.concatenate %get3A_75, %get3A_80, %get3A_85, %get3A_90, %get3A_95, %get3A_100, %get3A_105, %get3A_110 in 1 : vector<512x128xf32>, vector<512x128xf32>, vector<512x128xf32>, vector<512x128xf32>, vector<512x128xf32>, vector<512x128xf32>, vector<512x128xf32>, vector<512x128xf32> -> vector<512x1024xf32>
      %convert_element_type3A_111 = arith.truncf %concatenate3A : vector<512x1024xf32> to vector<512x1024xbf16>
      %get3A_112 = arith.constant 0 : index
      %get3A_113 = arith.constant 0 : index
      %get3A_114 = vector.load %arg8[%get3A_112, %get3A_113] : memref<1024x1024xbf16, #tpu.memory_space<vmem>>, vector<1024x1024xbf16>
      %dot_general3A_115 = arith.constant dense<0.000000e+00> : vector<512x1024xf32>
      %dot_general3A_116 = tpu.matmul %convert_element_type3A_111, %get3A_114, %dot_general3A_115 {dimension_numbers = #tpu.dot_dimension_numbers<[1], [0], [0], [1], [0, 0, 1, 1], [], []>, transpose_lhs_hint = false} : vector<512x1024xbf16>, vector<1024x1024xbf16>, vector<512x1024xf32> -> vector<512x1024xf32>
      %get3A_117 = arith.constant 0 : index
      %get3A_118 = arith.constant 0 : index
      %get3A_119 = vector.load %arg9[%get3A_117, %get3A_118] : memref<1x1024xf32, #tpu.memory_space<vmem>>, vector<1x1024xf32>
      %add3A = vector.broadcast %get3A_119 : vector<1x1024xf32> to vector<512x1024xf32>
      %add3A_120 = arith.addf %dot_general3A_116, %add3A : vector<512x1024xf32>
      %get3A_121 = arith.constant 0 : index
      %get3A_122 = arith.constant 0 : index
      %get3A_123 = vector.load %arg1[%get3A_121, %get3A_122] : memref<512x1024xf32, #tpu.memory_space<vmem>>, vector<512x1024xf32>
      %add3A_124 = arith.addf %add3A_120, %get3A_123 : vector<512x1024xf32>
      %swap3A_125 = arith.constant 0 : index
      %swap3A_126 = arith.constant 0 : index
      %swap3A_127 = vector.load %arg11[%swap3A_125, %swap3A_126] : memref<512x1024xf32, #tpu.memory_space<vmem>>, vector<512x1024xf32>
      tpu.vector_store %arg11[%swap3A_125, %swap3A_126], %add3A_124 {strides = array<i32>} : memref<512x1024xf32, #tpu.memory_space<vmem>>, vector<512x1024xf32>,
    } else {
    }
    return
  }
  func.func @transform_0(%arg0: i32) -> (i32, i32) {
    %c0_i32 = arith.constant 0 : i32
    %c0_i32_0 = arith.constant 0 : i32
    %c0_i32_1 = arith.constant 0 : i32
    return %c0_i32, %c0_i32_0 : i32, i32
  }
  func.func @transform_1(%arg0: i32) -> (i32, i32) {
    %c0_i32 = arith.constant 0 : i32
    %c0_i32_0 = arith.constant 0 : i32
    %c0_i32_1 = arith.constant 0 : i32
    return %c0_i32, %c0_i32_0 : i32, i32
  }
  func.func @transform_2(%arg0: i32) -> (i32, i32) {
    %c0_i32 = arith.constant 0 : i32
    %c0_i32_0 = arith.constant 0 : i32
    %c0_i32_1 = arith.constant 0 : i32
    return %c0_i32, %c0_i32_0 : i32, i32
  }
  func.func @transform_3(%arg0: i32) -> (i32, i32) {
    %c0_i32 = arith.constant 0 : i32
    %c0_i32_0 = arith.constant 0 : i32
    %c0_i32_1 = arith.constant 0 : i32
    return %c0_i32, %c0_i32_0 : i32, i32
  }
  func.func @transform_4(%arg0: i32) -> (i32, i32) {
    %c0_i32 = arith.constant 0 : i32
    %c0_i32_0 = arith.constant 0 : i32
    %c0_i32_1 = arith.constant 0 : i32
    return %c0_i32, %c0_i32_0 : i32, i32
  }
  func.func @transform_5(%arg0: i32) -> (i32, i32) {
    %c0_i32 = arith.constant 0 : i32
    %c0_i32_0 = arith.constant 0 : i32
    return %c0_i32, %arg0 : i32, i32
  }
  func.func @transform_6(%arg0: i32) -> (i32, i32) {
    %add3A = arith.constant 8 : i32
    %add3A_0 = arith.addi %add3A, %arg0 : i32
    %c0_i32 = arith.constant 0 : i32
    %c0_i32_1 = arith.constant 0 : i32
    return %c0_i32, %add3A_0 : i32, i32
  }
  func.func @transform_7(%arg0: i32) -> (i32, i32) {
    %c0_i32 = arith.constant 0 : i32
    %c0_i32_0 = arith.constant 0 : i32
    %c0_i32_1 = arith.constant 0 : i32
    return %c0_i32, %c0_i32_0 : i32, i32
  }
  func.func @transform_8(%arg0: i32) -> (i32, i32) {
    %c0_i32 = arith.constant 0 : i32
    %c0_i32_0 = arith.constant 0 : i32
    %c0_i32_1 = arith.constant 0 : i32
    return %c0_i32, %c0_i32_0 : i32, i32
  }
  func.func @transform_9(%arg0: i32) -> (i32, i32, i32) {
    %c0_i32 = arith.constant 0 : i32
    %c0_i32_0 = arith.constant 0 : i32
    %c0_i32_1 = arith.constant 0 : i32
    return %arg0, %c0_i32, %c0_i32_0 : i32, i32, i32
  }
  func.func @transform_10(%arg0: i32) -> (i32, i32) {
    %c0_i32 = arith.constant 0 : i32
    %c0_i32_0 = arith.constant 0 : i32
    %c0_i32_1 = arith.constant 0 : i32
    return %c0_i32, %c0_i32_0 : i32, i32
  }
}

module attributes {stable_mosaic.version = 14 : i64} {
  func.func @body(%arg0: i32, %arg1: memref<512x1024xf32, #tpu.memory_space<vmem>>, %arg2: memref<1024x4096xf32, #tpu.memory_space<vmem>>, %arg3: memref<1x4096xf32, #tpu.memory_space<vmem>>, %arg4: memref<4096x1024xf32, #tpu.memory_space<vmem>>, %arg5: memref<1x1024xf32, #tpu.memory_space<vmem>>, %arg6: memref<1x1024xf32, #tpu.memory_space<vmem>>, %arg7: memref<1x1024xf32, #tpu.memory_space<vmem>>, %arg8: memref<512x1024xf32, #tpu.memory_space<vmem>>) attributes {dimension_semantics = [#tpu.dimension_semantics<arbitrary>], iteration_bounds = array<i64: 8>, scalar_prefetch = 0 : i64, scratch_operands = 0 : i64, tpu.core_type = #tpu.core_type<tc>, window_params = [{transform_indices = @transform_0, window_bounds = array<i64: 512, 1024>}, {pipeline_mode = #tpu.pipeline_mode<synchronous>, transform_indices = @transform_1, window_bounds = array<i64: 1024, 4096>}, {pipeline_mode = #tpu.pipeline_mode<synchronous>, transform_indices = @transform_2, window_bounds = array<i64: 1, 4096>}, {pipeline_mode = #tpu.pipeline_mode<synchronous>, transform_indices = @transform_3, window_bounds = array<i64: 4096, 1024>}, {pipeline_mode = #tpu.pipeline_mode<synchronous>, transform_indices = @transform_4, window_bounds = array<i64: 1, 1024>}, {pipeline_mode = #tpu.pipeline_mode<synchronous>, transform_indices = @transform_5, window_bounds = array<i64: 1, 1024>}, {pipeline_mode = #tpu.pipeline_mode<synchronous>, transform_indices = @transform_6, window_bounds = array<i64: 1, 1024>}, {transform_indices = @transform_7, window_bounds = array<i64: 512, 1024>}]} {
    %get3A = arith.constant 0 : index
    %get3A_0 = arith.constant 0 : index
    %get3A_1 = vector.load %arg1[%get3A, %get3A_0] : memref<512x1024xf32, #tpu.memory_space<vmem>>, vector<512x1024xf32>
    %get3A_2 = arith.constant 0 : index
    %get3A_3 = arith.constant 0 : index
    %get3A_4 = vector.load %arg6[%get3A_2, %get3A_3] : memref<1x1024xf32, #tpu.memory_space<vmem>>, vector<1x1024xf32>
    %get3A_5 = arith.constant 0 : index
    %get3A_6 = arith.constant 0 : index
    %get3A_7 = vector.load %arg7[%get3A_5, %get3A_6] : memref<1x1024xf32, #tpu.memory_space<vmem>>, vector<1x1024xf32>
    %reduce_sum3A = arith.constant dense<0.000000e+00> : vector<512xf32>
    %reduce_sum3A_8 = vector.multi_reduction <add>, %get3A_1, %reduce_sum3A [1] : vector<512x1024xf32> to vector<512xf32>
    %broadcast_in_dim3A = vector.shape_cast %reduce_sum3A_8 : vector<512xf32> to vector<512x1xf32>
    %div3A = arith.constant 1.024000e+03 : f32
    %div3A_9 = vector.broadcast %div3A : f32 to vector<512x1xf32>
    %div3A_10 = arith.divf %broadcast_in_dim3A, %div3A_9 : vector<512x1xf32>
    %sub3A = vector.broadcast %div3A_10 : vector<512x1xf32> to vector<512x1024xf32>
    %sub3A_11 = arith.subf %get3A_1, %sub3A : vector<512x1024xf32>
    %mul3A = arith.mulf %sub3A_11, %sub3A_11 : vector<512x1024xf32>
    %reduce_sum3A_12 = arith.constant dense<0.000000e+00> : vector<512xf32>
    %reduce_sum3A_13 = vector.multi_reduction <add>, %mul3A, %reduce_sum3A_12 [1] : vector<512x1024xf32> to vector<512xf32>
    %broadcast_in_dim3A_14 = vector.shape_cast %reduce_sum3A_13 : vector<512xf32> to vector<512x1xf32>
    %div3A_15 = arith.constant 1.024000e+03 : f32
    %div3A_16 = vector.broadcast %div3A_15 : f32 to vector<512x1xf32>
    %div3A_17 = arith.divf %broadcast_in_dim3A_14, %div3A_16 : vector<512x1xf32>
    %sqrt3A = math.sqrt %div3A_17 : vector<512x1xf32>
    %add3A = arith.constant 9.99999997E-7 : f32
    %add3A_18 = vector.broadcast %add3A : f32 to vector<512x1xf32>
    %add3A_19 = arith.addf %sqrt3A, %add3A_18 : vector<512x1xf32>
    %div3A_20 = vector.broadcast %add3A_19 : vector<512x1xf32> to vector<512x1024xf32>
    %div3A_21 = arith.divf %sub3A_11, %div3A_20 : vector<512x1024xf32>
    %mul3A_22 = vector.broadcast %get3A_4 : vector<1x1024xf32> to vector<512x1024xf32>
    %mul3A_23 = arith.mulf %mul3A_22, %div3A_21 : vector<512x1024xf32>
    %add3A_24 = vector.broadcast %get3A_7 : vector<1x1024xf32> to vector<512x1024xf32>
    %add3A_25 = arith.addf %mul3A_23, %add3A_24 : vector<512x1024xf32>
    %get3A_26 = arith.constant 0 : index
    %get3A_27 = arith.constant 0 : index
    %get3A_28 = vector.load %arg2[%get3A_26, %get3A_27] : memref<1024x4096xf32, #tpu.memory_space<vmem>>, vector<1024x4096xf32>
    %dot_general3A = arith.constant dense<0.000000e+00> : vector<512x4096xf32>
    %dot_general3A_29 = tpu.matmul %add3A_25, %get3A_28, %dot_general3A {dimension_numbers = #tpu.dot_dimension_numbers<[1], [0], [0], [1], [0, 0, 1, 1], [], []>, transpose_lhs_hint = false} : vector<512x1024xf32>, vector<1024x4096xf32>, vector<512x4096xf32> -> vector<512x4096xf32>
    %get3A_30 = arith.constant 0 : index
    %get3A_31 = arith.constant 0 : index
    %get3A_32 = vector.load %arg3[%get3A_30, %get3A_31] : memref<1x4096xf32, #tpu.memory_space<vmem>>, vector<1x4096xf32>
    %add3A_33 = vector.broadcast %get3A_32 : vector<1x4096xf32> to vector<512x4096xf32>
    %add3A_34 = arith.addf %dot_general3A_29, %add3A_33 : vector<512x4096xf32>
    %max3A = arith.constant 0.000000e+00 : f32
    %max3A_35 = vector.broadcast %max3A : f32 to vector<512x4096xf32>
    %max3A_36 = arith.maximumf %add3A_34, %max3A_35 : vector<512x4096xf32>
    %get3A_37 = arith.constant 0 : index
    %get3A_38 = arith.constant 0 : index
    %get3A_39 = vector.load %arg4[%get3A_37, %get3A_38] : memref<4096x1024xf32, #tpu.memory_space<vmem>>, vector<4096x1024xf32>
    %dot_general3A_40 = arith.constant dense<0.000000e+00> : vector<512x1024xf32>
    %dot_general3A_41 = tpu.matmul %max3A_36, %get3A_39, %dot_general3A_40 {dimension_numbers = #tpu.dot_dimension_numbers<[1], [0], [0], [1], [0, 0, 1, 1], [], []>, transpose_lhs_hint = false} : vector<512x4096xf32>, vector<4096x1024xf32>, vector<512x1024xf32> -> vector<512x1024xf32>
    %add3A_42 = arith.addf %get3A_1, %dot_general3A_41 : vector<512x1024xf32>
    %get3A_43 = arith.constant 0 : index
    %get3A_44 = arith.constant 0 : index
    %get3A_45 = vector.load %arg5[%get3A_43, %get3A_44] : memref<1x1024xf32, #tpu.memory_space<vmem>>, vector<1x1024xf32>
    %add3A_46 = vector.broadcast %get3A_45 : vector<1x1024xf32> to vector<512x1024xf32>
    %add3A_47 = arith.addf %add3A_42, %add3A_46 : vector<512x1024xf32>
    %swap3A = arith.constant 0 : index
    %swap3A_48 = arith.constant 0 : index
    %swap3A_49 = vector.load %arg8[%swap3A, %swap3A_48] : memref<512x1024xf32, #tpu.memory_space<vmem>>, vector<512x1024xf32>
    tpu.vector_store %arg8[%swap3A, %swap3A_48], %add3A_47 {strides = array<i32>} : memref<512x1024xf32, #tpu.memory_space<vmem>>, vector<512x1024xf32>,
    return
  }
  func.func @transform_0(%arg0: i32) -> (i32, i32) {
    %c0_i32 = arith.constant 0 : i32
    %c0_i32_0 = arith.constant 0 : i32
    return %arg0, %c0_i32 : i32, i32
  }
  func.func @transform_1(%arg0: i32) -> (i32, i32) {
    %c0_i32 = arith.constant 0 : i32
    %c0_i32_0 = arith.constant 0 : i32
    %c0_i32_1 = arith.constant 0 : i32
    return %c0_i32, %c0_i32_0 : i32, i32
  }
  func.func @transform_2(%arg0: i32) -> (i32, i32) {
    %c0_i32 = arith.constant 0 : i32
    %c0_i32_0 = arith.constant 0 : i32
    %c0_i32_1 = arith.constant 0 : i32
    return %c0_i32, %c0_i32_0 : i32, i32
  }
  func.func @transform_3(%arg0: i32) -> (i32, i32) {
    %c0_i32 = arith.constant 0 : i32
    %c0_i32_0 = arith.constant 0 : i32
    %c0_i32_1 = arith.constant 0 : i32
    return %c0_i32, %c0_i32_0 : i32, i32
  }
  func.func @transform_4(%arg0: i32) -> (i32, i32) {
    %c0_i32 = arith.constant 0 : i32
    %c0_i32_0 = arith.constant 0 : i32
    %c0_i32_1 = arith.constant 0 : i32
    return %c0_i32, %c0_i32_0 : i32, i32
  }
  func.func @transform_5(%arg0: i32) -> (i32, i32) {
    %c0_i32 = arith.constant 0 : i32
    %c0_i32_0 = arith.constant 0 : i32
    %c0_i32_1 = arith.constant 0 : i32
    return %c0_i32, %c0_i32_0 : i32, i32
  }
  func.func @transform_6(%arg0: i32) -> (i32, i32) {
    %c0_i32 = arith.constant 0 : i32
    %c0_i32_0 = arith.constant 0 : i32
    %c0_i32_1 = arith.constant 0 : i32
    return %c0_i32, %c0_i32_0 : i32, i32
  }
  func.func @transform_7(%arg0: i32) -> (i32, i32) {
    %c0_i32 = arith.constant 0 : i32
    %c0_i32_0 = arith.constant 0 : i32
    return %arg0, %c0_i32 : i32, i32
  }
}

</mosaic_0001>

<sc_bundles>
// kernel: kernel.10.cloned.1.call-start
scs
__scs_entry_jumppad:
0x0: {  	(pc) =	sbr.rel $0x88, $3  }
0x1: {  	(tag) =	ssettag $0x0;
	lr =	simm.s32 $0x1  }
0x2: {  	[smem:$0x3F8F] =	sst lr;
	_ =	strace $0xD0000000  }
0x3: {  	_ = 	snop  }
0x4: {  	_ = 	snop  }
0x5: {  	_ = 	snop  }
0x6: {  	_ = 	snop  }
0x7: {  	_ = 	snop  }
__scs_overlays_trampoline_lowered:
0x8: {  	[smem:$0x3F9E] =	sst s0  }
0x9: {  	[smem:$0x3F9F] =	sst s1  }
0xa: {  	[smem:$0x3FA0] =	sst s2  }
0xb: {  	[smem:$0x3FA1] =	sst s3  }
0xc: {  	[smem:$0x3FA2] =	sst s4  }
0xd: {  	[smem:$0x3FA3] =	sst s5  }
0xe: {  	[smem:$0x3FA4] =	sst s6  }
0xf: {  	[smem:$0x3FA5] =	sst s7  }
0x10: {  	[smem:$0x3FA6] =	sst s8  }
0x11: {  	[smem:$0x3FA7] =	sst s9;
	s0 =	simm.s32 @!p0 $0x0  }
0x12: {  	s1 =	sld [smem:$0x3F8D];
	s0 =	simm.s32 @p0 $0x1  }
0x13: {  	[smem:$0x3FA8] =	sst s0;
	s0 =	simm.s32 @!p1 $0x0  }
0x14: {  	s2 =	sld [smem:$0x3F8C];
	s0 =	simm.s32 @p1 $0x1  }
0x15: {  	[smem:$0x3FA9] =	sst s0;
	s0 =	simm.s32 @!p2 $0x0  }
0x16: {  	s3 =	sld [smem:$0x3FDB];
	s0 =	simm.s32 @p2 $0x1  }
0x17: {  	s4 =	simm.s32 $0x1BF5;
	[smem:$0x3FAB] =	sst s0  }
0x18: {  	s0 =	sld [smem:$0x3F8E];
	_ =	swait.ge [sflag:s4], $0x0  }
0x19: {  	s7 =	sld [smem:$0x3F8F]  }
0x1a: {  	s8 =	sadd.s32 $0xFFFFE003, lr  }
0x1b: {  	s9 =	sadd.s32 $0xFFFFFEF7, lr;
	s5 =	simm.s32 $0xFFFFFFFF;
	p2 =	slt.u32 s8, $0xFFFFF086  }
0x1c: {  	p1 =	slt.u32 s9, $0xF7A;
	s5 =	simm.s32 @!p2 $0x0  }
0x1d: {  	s5 =	simm.s32 @p1 $0x1;
	p0 =	seq.s32 s7, s2  }
0x1e: {  	s7 =	smul.u32 @!p0 $0xF7A, s2;
	p2 =	seq.s32 @!p0 s5, $0x0  }
0x1f: {  	s9 =	smul.u32 $0xF7A, s1;
	s8 =	simm.s32 @!p0 $0x1BF5;
	p2 =	por !p2, p0  }
0x20: {  	[sflag:s8] =	ssyncset.s32 @!p0 $0xFFFFF086;
	s6 =	sadd.s32 @!p0 s3, s7;
	s7 =	simm.s32 @!p0 $0x108  }
0x21: {  	s3 =	sadd.s32 s3, s9;
	s6 =	sadd.s32 @!p0 $0x88, s6;
	s7 =	simm.s32 @p2 $0x1082  }
0x22: {  	[simem:s7], [sflag:s8] =	dma.local @!p0 [hbm:s6], $0xF7A  }
0x23: {  	s9 =	sor.u32 $0xD0000000, s2;
	s6 =	simm.s32 $0x108;
	_ =	swait.ge @!p0 [sflag:s8], $0x0  }
0x24: {  	s3 =	sadd.s32 $0x88, s3;
	s6 =	simm.s32 @!p1 $0x1082;
	[sflag:s4] =	ssyncset.s32 $0xFFFFF086  }
0x25: {  	[simem:s6], [sflag:s4] =	dma.local [hbm:s3], $0xF7A  }
0x26: {  	[smem:$0x3F8F] =	sst s1;
	(tag) =	ssettag s2;
	_ =	strace s9  }
0x27: {  	s1 =	sld [smem:$0x3F9F]  }
0x28: {  	s2 =	sld [smem:$0x3FA0]  }
0x29: {  	s4 =	sld [smem:$0x3FA2]  }
0x2a: {  	p0 =	seq.s32 s5, $0x0;
	s5 =	sld [smem:$0x3FA3]  }
0x2b: {  	s6 =	sld [smem:$0x3FA4]  }
0x2c: {  	s7 =	sld [smem:$0x3FA5]  }
0x2d: {  	s3 =	simm.s32 $0x108;
	s8 =	sld [smem:$0x3FA6]  }
0x2e: {  	s3 =	simm.s32 @!p0 $0x1082;
	s9 =	sld [smem:$0x3FA7]  }
0x2f: {  	lr =	sadd.s32 s0, s3;
	s0 =	sld [smem:$0x3F9E]  }
0x30: {  	s3 =	sld [smem:$0x3FA1]  }
0x31: {  	[smem:$0x3FAA] =	sst s10  }
0x32: {  	s10 =	sld [smem:$0x3FA8];
	_ =	sdelay $0x3  }
0x33: {  	p0 =	seq.s32 s10, $0x1;
	s10 =	sld [smem:$0x3FAA];
	_ =	sdelay $0x3  }
0x34: {  	[smem:$0x3FAA] =	sst s10  }
0x35: {  	s10 =	sld [smem:$0x3FA9];
	_ =	sdelay $0x3  }
0x36: {  	p1 =	seq.s32 s10, $0x1;
	s10 =	sld [smem:$0x3FAA];
	_ =	sdelay $0x3  }
0x37: {  	[smem:$0x3FAA] =	sst s10  }
0x38: {  	s10 =	sld [smem:$0x3FAB]  }
0x39: {  	_ = 	snop;
	(pc) =	sbr.ind lr, $3  }
0x3a: {  	_ = 	snop  }
0x3b: {  	_ = 	snop  }
0x3c: {  	p2 =	seq.s32 s10, $0x1;
	s10 =	sld [smem:$0x3FAA]  }
0x3d: {  	_ =	shalt  }
0x3e: {  	_ =	shalt  }
0x3f: {  	_ =	shalt  }
0x40: {  	_ =	shalt  }
0x41: {  	_ =	shalt  }
0x42: {  	_ =	shalt  }
0x43: {  	_ =	shalt  }
0x44: {  	_ =	shalt  }
0x45: {  	_ =	shalt  }
0x46: {  	_ =	shalt  }
0x47: {  	_ =	shalt  }
0x48: {  	_ =	shalt  }
0x49: {  	_ =	shalt  }
0x4a: {  	_ =	shalt  }
0x4b: {  	_ =	shalt  }
0x4c: {  	_ =	shalt  }
0x4d: {  	_ =	shalt  }
0x4e: {  	_ =	shalt  }
0x4f: {  	_ =	shalt  }
0x50: {  	_ =	shalt  }
0x51: {  	_ =	shalt  }
0x52: {  	_ =	shalt  }
0x53: {  	_ =	shalt  }
0x54: {  	_ =	shalt  }
0x55: {  	_ =	shalt  }
0x56: {  	_ =	shalt  }
0x57: {  	_ =	shalt  }
0x58: {  	_ =	shalt  }
0x59: {  	_ =	shalt  }
0x5a: {  	_ =	shalt  }
0x5b: {  	_ =	shalt  }
0x5c: {  	_ =	shalt  }
0x5d: {  	_ =	shalt  }
0x5e: {  	_ =	shalt  }
0x5f: {  	_ =	shalt  }
0x60: {  	_ =	shalt  }
0x61: {  	_ =	shalt  }
0x62: {  	_ =	shalt  }
0x63: {  	_ =	shalt  }
0x64: {  	_ =	shalt  }
0x65: {  	_ =	shalt  }
0x66: {  	_ =	shalt  }
0x67: {  	_ =	shalt  }
0x68: {  	_ =	shalt  }
0x69: {  	_ =	shalt  }
0x6a: {  	_ =	shalt  }
0x6b: {  	_ =	shalt  }
0x6c: {  	_ =	shalt  }
0x6d: {  	_ =	shalt  }
0x6e: {  	_ =	shalt  }
0x6f: {  	_ =	shalt  }
0x70: {  	_ =	shalt  }
0x71: {  	_ =	shalt  }
0x72: {  	_ =	shalt  }
0x73: {  	_ =	shalt  }
0x74: {  	_ =	shalt  }
0x75: {  	_ =	shalt  }
0x76: {  	_ =	shalt  }
0x77: {  	_ =	shalt  }
0x78: {  	_ =	shalt  }
0x79: {  	_ =	shalt  }
0x7a: {  	_ =	shalt  }
0x7b: {  	_ =	shalt  }
0x7c: {  	_ =	shalt  }
0x7d: {  	_ =	shalt  }
0x7e: {  	_ =	shalt  }
0x7f: {  	_ =	shalt  }
0x80: {  	_ =	shalt  }
0x81: {  	_ =	shalt  }
0x82: {  	_ =	shalt  }
0x83: {  	_ =	shalt  }
0x84: {  	_ =	shalt  }
0x85: {  	_ =	shalt  }
0x86: {  	_ =	shalt  }
0x87: {  	_ =	shalt  }
.Lfunc_end0:
.L_simem_size_0:
called_computation.1_lowered:
.L_overlay_start_0:
0x88: {  	s2 =	sld [smem:$0x3FD9]  }
0x89: {  	s3 =	sld [smem:$0x3FFE];
	_ =	sdelay $0x1  }
0x8a: {  	s1 =	srdreg.scid  }
0x8b: {  	s0 =	sand.u32 $0x1, s1  }
0x8c: {  	s17 =	sshll.u32 s0, $0xA;
	s2 =	sadd.s32 s3, s2  }
0x8d: {  	s2 =	sadd.s32 s2, s17  }
0x8e: {  	[smem:$0x3FB6] =	sst s2  }
0x8f: {  	_ = 	snop  }
0x90: {  	s2 =	sld [smem:$0x3FC9];
	(tm) =	ssettm $0x1  }
0x91: {  	s18 =	sld [smem:$0x3FFB];
	_ =	sdelay $0x3  }
0x92: {  	_ =	strace s18  }
0x93: {  	s3 =	sld [smem:$0x3FFC];
	_ =	sdelay $0x3  }
0x94: {  	_ =	strace s3  }
0x95: {  	s3 =	sld [smem:$0x3FFD];
	_ =	sdelay $0x3  }
0x96: {  	_ =	strace s3  }
0x97: {  	_ =	strace $0x8FFFFFFF  }
0x98: {  	s19 =	sld [smem:$0x3FDB];
	_ =	sdelay $0x1  }
0x99: {  	s4 =	simm.s32 $_scs_section_size  }
0x9a: {  	s5 =	simm.s32 $_size__tile_overlayer_lowered;
	s6 =	simm.s32 $_tile_overlayer_lowered  }
0x9b: {  	s22 =	simm.s32 $0x1BFF;
	s21 =	sshll.u32 s6, $0x1;
	s3 =	sadd.s32 s4, s19  }
0x9c: {  	s7 =	simm.s32 $0x0;
	s20 =	sshll.u32 s5, $0x1;
	s5 =	sadd.s32 s21, s3  }
0x9d: {  	[timem:s7], [sflag:s22] =	dma.local [hbm:s5], s20  }
0x9e: {  	_ =	swait.ge [sflag:s22], s20  }
0x9f: {  	s4 =	ssub.s32 $0x0, s20;
	[sflag:s22] =	ssyncset.done $0x0  }
0xa0: {  	[sflag:s22] =	ssyncadd.s32 s4;
	_ =	sdelay $0x1  }
0xa1: {  	s23 =	simm.s32 $0x1B8B  }
0xa2: {  	_ =	swait.ge [sflag:s23], $0x1  }
0xa3: {  	[sflag:s23] =	ssyncset.done $0x0  }
0xa4: {  	s25 =	simm.s32 $0x1B8E;
	s24 =	sld [smem:$0x3FFE];
	[sflag:s23] =	ssyncadd.s32 $0xFFFFFFFF  }
0xa5: {  	s26 =	simm.s32 $execute0_lowered;
	[smem:$0x3FD2] =	sst s25  }
0xa6: {  	s5 =	sshll.u32 s26, $0x1;
	_ =	strace $0x80000049;
	[dreg:$0x1] =	wrdreg $0xFFFFFFFF  }
0xa7: {  	s28 =	simm.s32 $_size_execute0_lowered;
	s3 =	sadd.s32 s3, s5;
	[dreg:$0x0] =	wrdreg $0x0  }
0xa8: {  	s5 =	sshll.u32 s28, $0x1;
	[dreg:$0x2] =	wrdreg s3  }
0xa9: {  	[dreg:$0x3] =	wrdreg s5  }
0xaa: {  	[dreg:$0x4] =	wrdreg $0xC0  }
0xab: {  	_ =	task [dreg:s7], $0x5FFFF  }
0xac: {  	[dreg:$0x1] =	wrdreg $0xFFFFFFFF  }
0xad: {  	[dreg:$0x0] =	wrdreg $0x60  }
0xae: {  	[dreg:$0x2] =	wrdreg s2  }
0xaf: {  	[dreg:$0x3] =	wrdreg s24  }
0xb0: {  	[dreg:$0x4] =	wrdreg $0x9  }
0xb1: {  	_ =	task.clear_ibuf [dreg:s7], $0x5FFFF;
	_ =	strace $0x90000049  }
0xb2: {  	s29 =	simm.s32 $0x9;
	_ =	strace $0x8000004B  }
0xb3: {  	_ =	swait.ge [sflag:s29], $0x1  }
0xb4: {  	[sflag:s29] =	ssyncadd.s32 $0xFFFFFFFF  }
0xb5: {  	_ =	strace $0x9000004B  }
0xb6: {  	_ =	sfence  }
0xb7: {  	s30 =	sld [smem:$0x0];
	_ =	sdelay $0x2  }
0xb8: {  	s31 =	sshll.u32 s1, $0xD;
	s1 =	sshrl.u32 s1, $0x2  }
0xb9: {  	s3 =	sand.u32 $0x4000, s31;
	s1 =	sadd.s32 s1, s30  }
0xba: {  	s0 =	sor.u32 s3, s0;
	s1 =	sshll.u32 s1, $0x11  }
0xbb: {  	s0 =	sor.u32 s1, s0  }
0xbc: {  	s0 =	sadd.s32 $0x8F2B, s0  }
0xbd: {  	[sflag:s0] =	ssyncadd.remote.s32 $0x1  }
0xbe: {  	_ =	sfence.sel $0xFFFF  }
0xbf: {  	[dreg:$0x0] =	wrdreg $0xFFFFFFFF;
	(pc) =	sbr.abs _section_cstart, $3  }
0xc0: {  	[dreg:$0x1] =	wrdreg $0xFFFFFFFF  }
0xc1: {  	_ =	task.clear_ibuf [dreg:s7], $0x2FFFF;
	_ =	strace $0x9FFFFFFF  }
0xc2: {  	(tm) =	ssettm $0x7FFFFFFF  }
0xc3: {  	_ =	shalt  }
tec
execute0_lowered:
.L_overlay_start_1:
0x0: {  	(tag) =	ssettag $0x1  }
0x1: {  	s0 =	rddreg [dreg:$0x0]  }
0x2: {  	s6 =	rddreg [dreg:$0x1];
	s2 =	srdreg.scid  }
0x3: {  	s1 =	stileid.u32;
	s28 =	simm.s32 $0x6100;
	s29 =	simm.s32 $0x6900  }
0x4: {  	s30 =	simm.s32 $0x7100;
	s31 =	simm.s32 $0x7900;
	s4 =	sand.u32 $0x1, s2  }
0x5: {  	s2 =	simm.s32 $0x0;
	s3 =	sshll.u32 s1, $0xE;
	s10 =	sshll.u32 s1, $0x2  }
0x6: {  	s16 =	sshll.u32 s1, $0xC;
	s5 =	sshll.u32 s4, $0x12;
	[smem:$0x7FF] =	sst s2  }
0x7: {  	s15 =	sadd.s32 s10, s6;
	s19 =	ssub.s32 $0x2, s4;
	s23 =	sshll.u32 s4, $0xB  }
0x8: {  	s26 =	sor.u32 $0x1000, s4;
	s4 =	sadd.s32 $0x41500, s6;
	s10 =	simm.s32 $0x1  }
0x9: {  	s5 =	sor.u32 s5, s3;
	_ =	strace $0x8000004A;
	s3 =	sadd.s32 $0x41400, s6  }
0xa: {  	s20 =	sadd.s32 $0x31200, s15;
	s21 =	sshrl.u32 s19, $0x1;
	s25 =	sadd.s32 $0x800, s23  }
0xb: {  	s15 =	simm.s32 $0x100;
	v0 =	vmov s23;
	s23 =	simm.s32 $0x4100;
	v2 =	vmov s26;
	s26 =	simm.s32 $0x5900  }
0xc: {  	s7 =	sadd.s32 s0, s5;
	s8 =	sor.u32 $0x1000, s5;
	s12 =	sadd.s32 s3, s5  }
0xd: {  	s9 =	sor.u32 $0x2000, s5;
	s5 =	sor.u32 $0x3000, s5;
	[dreg:$0xb] =	wrdreg s20  }
0xe: {  	s24 =	ssub.s32 s19, s21;
	s19 =	simm.s32 $0x2100;
	s20 =	simm.s32 $0x2900  }
0xf: {  	s21 =	simm.s32 $0x3100;
	v1 =	vmov s25;
	s25 =	simm.s32 $0x5100;
	[dreg:$0x3] =	wrdreg s7  }
0x10: {  	s11 =	sadd.s32 s0, s8;
	[dreg:$0x5] =	wrdreg s12;
	s13 =	sadd.s32 s0, s9  }
0x11: {  	s14 =	sadd.s32 s3, s8;
	s0 =	sadd.s32 s0, s5;
	[dreg:$0x4] =	wrdreg s11  }
0x12: {  	s17 =	sadd.s32 s3, s9;
	s7 =	sadd.s32 s16, s6;
	[dreg:$0x6] =	wrdreg s13  }
0x13: {  	s18 =	sadd.s32 s3, s5;
	s5 =	sadd.s32 $0x41600, s6;
	[dreg:$0x7] =	wrdreg s14  }
0x14: {  	s6 =	sadd.s32 $0x41700, s6;
	s8 =	simm.s32 $0x8100;
	[dreg:$0x8] =	wrdreg s0  }
0x15: {  	s9 =	simm.s32 $0x10100;
	s12 =	simm.s32 $0x2;
	[dreg:$0x9] =	wrdreg s17  }
0x16: {  	[dreg:$0xa] =	wrdreg s18;
	s22 =	sadd.s32 $0x31400, s7;
	s7 =	smax.u32 s24, $0x1  }
0x17: {  	v5 =	vlaneseq.u32;
	s11 =	simm.s32 $0x3;
	s13 =	simm.s32 $0x4;
	s14 =	simm.s32 $0x6  }
0x18: {  	vm0 =	vmmov $0xffff;
	v4 =	vshrl.u32 v5, $0x3;
	s17 =	simm.s32 $0x1100;
	s18 =	simm.s32 $0x1900;
	s24 =	simm.s32 $0x4900  }
0x19: {  	v3 =	vand.u32 $0x7, v5;
	v5 =	vor.u32 $0x8, v5;
	v4 =	vmul.u32 $0x8, v4;
	s0 =	simm.s32 $0x5;
	[dreg:$0xc] =	wrdreg s22;
	s22 =	simm.s32 $0x3900  }
.LBB2_1:
0x1a: {  	s1 =	rddreg [dreg:$0x3]  }
0x1b: {  	[tilespmem:s8], [sflag:$0x1] =	stream.linear.gather [hbm4b:s1+s2], $0x8000, $0x38;
	[tilespmem:$0x18100] =	vst v63  }
0x1c: {  	s16 =	rddreg [dreg:$0x4]  }
0x1d: {  	[tilespmem:s9], [sflag:$0x2] =	stream.linear.gather [hbm4b:s16+s2], $0x8000, $0x38;
	[tilespmem:$0x18100] =	vst v63  }
0x1e: {  	_ =	swait.ge [sflag:s10], $0x8000  }
0x1f: {  	[sflag:s10] =	ssyncset.done $0x0  }
0x20: {  	s16 =	rddreg [dreg:$0x5];
	[sflag:s10] =	ssyncadd.s32 $0xFFFF8000  }
0x21: {  	[hbm4b:s16+s2] =	stream.linear.scatter [tilespmem:s8], [sflag:$0x3], $0x8000, $0x38;
	[tilespmem:$0x18100] =	vst v63  }
0x22: {  	_ =	swait.ge [sflag:s11], $0x8000  }
0x23: {  	[sflag:s11] =	ssyncset.done $0x0  }
0x24: {  	s16 =	rddreg [dreg:$0x6];
	[sflag:s11] =	ssyncadd.s32 $0xFFFF8000  }
0x25: {  	[tilespmem:s8], [sflag:$0x1] =	stream.linear.gather [hbm4b:s16+s2], $0x8000, $0x38;
	[tilespmem:$0x18100] =	vst v63  }
0x26: {  	_ =	swait.ge [sflag:s12], $0x8000  }
0x27: {  	[sflag:s12] =	ssyncset.done $0x0  }
0x28: {  	s16 =	rddreg [dreg:$0x7];
	[sflag:s12] =	ssyncadd.s32 $0xFFFF8000  }
0x29: {  	[hbm4b:s16+s2] =	stream.linear.scatter [tilespmem:s9], [sflag:$0x4], $0x8000, $0x38;
	[tilespmem:$0x18100] =	vst v63  }
0x2a: {  	_ =	swait.ge [sflag:s13], $0x8000  }
0x2b: {  	[sflag:s13] =	ssyncset.done $0x0  }
0x2c: {  	s16 =	rddreg [dreg:$0x8];
	[sflag:s13] =	ssyncadd.s32 $0xFFFF8000  }
0x2d: {  	[tilespmem:s9], [sflag:$0x2] =	stream.linear.gather [hbm4b:s16+s2], $0x8000, $0x38;
	[tilespmem:$0x18100] =	vst v63  }
0x2e: {  	_ =	swait.ge [sflag:s10], $0x8000  }
0x2f: {  	[sflag:s10] =	ssyncset.done $0x0  }
0x30: {  	s16 =	rddreg [dreg:$0x9];
	[sflag:s10] =	ssyncadd.s32 $0xFFFF8000  }
0x31: {  	[hbm4b:s16+s2] =	stream.linear.scatter [tilespmem:s8], [sflag:$0x3], $0x8000, $0x38;
	[tilespmem:$0x18100] =	vst v63  }
0x32: {  	_ =	swait.ge [sflag:s12], $0x8000  }
0x33: {  	[sflag:s12] =	ssyncset.done $0x0  }
0x34: {  	s16 =	rddreg [dreg:$0xa];
	[sflag:s12] =	ssyncadd.s32 $0xFFFF8000  }
0x35: {  	[hbm4b:s16+s2] =	stream.linear.scatter [tilespmem:s9], [sflag:$0x4], $0x8000, $0x38;
	[tilespmem:$0x18100] =	vst v63  }
0x36: {  	_ =	swait.ge [sflag:s11], $0x8000  }
0x37: {  	[sflag:s11] =	ssyncset.done $0x0  }
0x38: {  	[sflag:s11] =	ssyncadd.s32 $0xFFFF8000  }
0x39: {  	_ =	swait.ge [sflag:s13], $0x8000  }
0x3a: {  	[sflag:s13] =	ssyncset.done $0x0  }
0x3b: {  	[sflag:s13] =	ssyncadd.s32 $0xFFFF8000  }
0x3c: {  	[bflag:$0x0] =	sbarrier.arrive $0xFFFF  }
0x3d: {  	s16 =	rddreg [dreg:$0xb]  }
0x3e: {  	[tilespmem:s2], [sflag:$0x6] =	stream.linear.gather [hbm4b:s16+s2], $0x20, $0x38;
	[tilespmem:$0x18100] =	vst v63  }
0x3f: {  	_ =	swait.ge [sflag:s14], $0x20  }
0x40: {  	[sflag:s14] =	ssyncset.done $0x0  }
0x41: {  	s16 =	rddreg [dreg:$0xc];
	[sflag:s14] =	ssyncadd.s32 $0xFFFFFFE0  }
0x42: {  	[tilespmem:s15], [sflag:$0x6] =	stream.linear.gather [hbm4b:s16+s2], $0x8000, $0x38;
	[tilespmem:$0x18100] =	vst v63  }
0x43: {  	_ =	swait.ge [sflag:s14], $0x8000  }
0x44: {  	[sflag:s14] =	ssyncset.done $0x0  }
0x45: {  	[sflag:s14] =	ssyncadd.s32 $0xFFFF8000  }
0x46: {  	v6 =	vld [tilespmem:$0x0];
	_ =	sdelay $0x4  }
0x47: {  	vm1 =	vge.s32 v6, v0;
	vm2 =	vlt.s32 v6, v1  }
0x48: {  	vm1 =	vmand vm1, vm2  }
0x49: {  	v6 =	vsel vm1, v6, v2  }
0x4a: {  	v7 =	vshll.u32 v6, $0x3  }
0x4b: {  	v8 =	vld [tilespmem:$0x10];
	v9 =	vand.u32 $0x7, v6;
	v7 =	vand.u32 $0xFFFFFFC0, v7  }
0x4c: {  	v7 =	vor.u32 v9, v7  }
0x4d: {  	v9 =	vperm.xlane v7, v3;
	_ =	sdelay $0x1  }
0x4e: {  	v9 =	vadd.s32 v4, v9  }
0x4f: {  	vm2 =	vlt.s32 v8, v1;
	vm1 =	vge.s32 v8, v0  }
0x50: {  	vm1 =	vmand vm1, vm2  }
0x51: {  	[tilespmem:$0x80] =	vst v6;
	v6 =	vsel vm1, v8, v2  }
0x52: {  	[tilespmem:$0x90] =	vst v6  }
0x53: {  	[hbm4b:s3+s2] =	stream.indirect_vreg.scatter [tilespmem:s15], [sflag:$0x5], $0x80, v9, vm0, $0xb8;
	[tilespmem:$0x18100] =	vst v63  }
0x54: {  	s16 =	simm.s32 $0x900;
	v6 =	vperm.xlane v7, v5  }
0x55: {  	[hbm4b:s4+s2] =	stream.indirect_vreg.scatter [tilespmem:s16], [sflag:$0x5], $0x80, v9, vm0, $0xb8;
	[tilespmem:$0x18100] =	vst v63  }
0x56: {  	v6 =	vadd.s32 v4, v6  }
0x57: {  	[hbm4b:s5+s2] =	stream.indirect_vreg.scatter [tilespmem:s17], [sflag:$0x5], $0x80, v9, vm0, $0xb8;
	[tilespmem:$0x18100] =	vst v63  }
0x58: {  	_ = 	snop  }
0x59: {  	[hbm4b:s6+s2] =	stream.indirect_vreg.scatter [tilespmem:s18], [sflag:$0x5], $0x80, v9, vm0, $0xb8;
	[tilespmem:$0x18100] =	vst v63  }
0x5a: {  	_ = 	snop  }
0x5b: {  	[hbm4b:s3+s2] =	stream.indirect_vreg.scatter [tilespmem:s19], [sflag:$0x5], $0x80, v6, vm0, $0xb8;
	[tilespmem:$0x18100] =	vst v63  }
0x5c: {  	_ = 	snop  }
0x5d: {  	[hbm4b:s4+s2] =	stream.indirect_vreg.scatter [tilespmem:s20], [sflag:$0x5], $0x80, v6, vm0, $0xb8;
	[tilespmem:$0x18100] =	vst v63  }
0x5e: {  	_ = 	snop  }
0x5f: {  	[hbm4b:s5+s2] =	stream.indirect_vreg.scatter [tilespmem:s21], [sflag:$0x5], $0x80, v6, vm0, $0xb8;
	[tilespmem:$0x18100] =	vst v63  }
0x60: {  	_ = 	snop  }
0x61: {  	[hbm4b:s6+s2] =	stream.indirect_vreg.scatter [tilespmem:s22], [sflag:$0x5], $0x80, v6, vm0, $0xb8;
	[tilespmem:$0x18100] =	vst v63  }
0x62: {  	v6 =	vld [tilespmem:$0x90];
	_ =	sdelay $0x4  }
0x63: {  	v7 =	vshll.u32 v6, $0x3  }
0x64: {  	v6 =	vand.u32 $0x7, v6;
	v7 =	vand.u32 $0xFFFFFFC0, v7  }
0x65: {  	v6 =	vor.u32 v6, v7  }
0x66: {  	v7 =	vperm.xlane v6, v3;
	_ =	sdelay $0x1  }
0x67: {  	v7 =	vadd.s32 v4, v7;
	_ =	sdelay $0x4  }
0x68: {  	[hbm4b:s3+s2] =	stream.indirect_vreg.scatter [tilespmem:s23], [sflag:$0x5], $0x80, v7, vm0, $0xb8;
	[tilespmem:$0x18100] =	vst v63  }
0x69: {  	v6 =	vperm.xlane v6, v5  }
0x6a: {  	[hbm4b:s4+s2] =	stream.indirect_vreg.scatter [tilespmem:s24], [sflag:$0x5], $0x80, v7, vm0, $0xb8;
	[tilespmem:$0x18100] =	vst v63  }
0x6b: {  	v6 =	vadd.s32 v4, v6  }
0x6c: {  	[hbm4b:s5+s2] =	stream.indirect_vreg.scatter [tilespmem:s25], [sflag:$0x5], $0x80, v7, vm0, $0xb8;
	[tilespmem:$0x18100] =	vst v63  }
0x6d: {  	_ = 	snop  }
0x6e: {  	[hbm4b:s6+s2] =	stream.indirect_vreg.scatter [tilespmem:s26], [sflag:$0x5], $0x80, v7, vm0, $0xb8;
	[tilespmem:$0x18100] =	vst v63  }
0x6f: {  	_ = 	snop  }
0x70: {  	[hbm4b:s3+s2] =	stream.indirect_vreg.scatter [tilespmem:s28], [sflag:$0x5], $0x80, v6, vm0, $0xb8;
	[tilespmem:$0x18100] =	vst v63  }
0x71: {  	_ = 	snop  }
0x72: {  	[hbm4b:s4+s2] =	stream.indirect_vreg.scatter [tilespmem:s29], [sflag:$0x5], $0x80, v6, vm0, $0xb8;
	[tilespmem:$0x18100] =	vst v63  }
0x73: {  	p0 =	sne.s32 s7, $0x1  }
0x74: {  	[hbm4b:s5+s2] =	stream.indirect_vreg.scatter [tilespmem:s30], [sflag:$0x5], $0x80, v6, vm0, $0xb8;
	[tilespmem:$0x18100] =	vst v63  }
.Ltmp0:
0x75: {  	_ = 	snop;
	(pc) =	sbr.rel @p0 .LBB2_1-.Ltmp0, $4  }
0x76: {  	[hbm4b:s6+s2] =	stream.indirect_vreg.scatter [tilespmem:s31], [sflag:$0x5], $0x80, v6, vm0, $0xb8;
	[tilespmem:$0x18100] =	vst v63  }
0x77: {  	_ =	swait.ge [sflag:s0], $0x8000  }
0x78: {  	[sflag:s0] =	ssyncset.done $0x0  }
0x79: {  	s7 =	sadd.s32 $0xFFFFFFFF, s7;
	[sflag:s0] =	ssyncadd.s32 $0xFFFF8000  }
0x7a: {  	_ =	sfence.sel $0x180000  }
0x7b: {  	[bflag:$0x0] =	sbarrier.arrive $0xFFFF  }
0x7c: {  	_ =	strace $0x9000004A  }
0x7d: {  	s0 =	stileid.u32;
	[bflag:$0x2] =	sbarrier.arrive $0xFFFF  }
0x7e: {  	p0 =	sne.s32 s0, $0x0;
	s0 =	rddreg [dreg:$0x2]  }
0x7f: {  	s0 =	sadd.s32 @!p0 $0x100000, s0  }
0x80: {  	[sflag:s0] =	ssyncadd.tile.s32 @!p0 $0x1;
	_ =	shalt  }
.Lfunc_end2:
_tile_overlayer_lowered:
.L_overlay_start_2:
0x81: {  	(tag) =	ssettag $0x2  }
0x82: {  	s0 =	rddreg [dreg:$0x0];
	s2 =	stileid.u32  }
0x83: {  	s1 =	rddreg [dreg:$0x1];
	p0 =	sne.s32 s2, $0x0  }
0x84: {  	s3 =	rddreg [dreg:$0x2];
	[bflag:$0x3] =	sbarrier.arrive $0xFFFF;
	s2 =	simm.s32 @!p0 $0x1C06  }
0x85: {  	[timem:s3], [sflag:s2] =	dma.local @!p0 [hbm:s0], s1  }
0x86: {  	s0 =	simm.s32 @!p0 $0x6  }
0x87: {  	_ =	swait.ge @!p0 [sflag:s0], s1  }
0x88: {  	s1 =	ssub.s32 @!p0 $0x0, s1;
	[sflag:s0] =	ssyncset.done @!p0 $0x0  }
0x89: {  	[sflag:s0] =	ssyncadd.s32 @!p0 s1  }
0x8a: {  	[bflag:$0x3] =	sbarrier.arrive $0xFFFF  }
0x8b: {  	_ =	shalt  }

// kernel: kernel.7.cloned.1.call-start
scs
__scs_entry_jumppad:
0x0: {  	(pc) =	sbr.rel $0x88, $3  }
0x1: {  	(tag) =	ssettag $0x0;
	lr =	simm.s32 $0x1  }
0x2: {  	[smem:$0x3F8F] =	sst lr;
	_ =	strace $0xD0000000  }
0x3: {  	_ = 	snop  }
0x4: {  	_ = 	snop  }
0x5: {  	_ = 	snop  }
0x6: {  	_ = 	snop  }
0x7: {  	_ = 	snop  }
__scs_overlays_trampoline_lowered:
0x8: {  	[smem:$0x3F9E] =	sst s0  }
0x9: {  	[smem:$0x3F9F] =	sst s1  }
0xa: {  	[smem:$0x3FA0] =	sst s2  }
0xb: {  	[smem:$0x3FA1] =	sst s3  }
0xc: {  	[smem:$0x3FA2] =	sst s4  }
0xd: {  	[smem:$0x3FA3] =	sst s5  }
0xe: {  	[smem:$0x3FA4] =	sst s6  }
0xf: {  	[smem:$0x3FA5] =	sst s7  }
0x10: {  	[smem:$0x3FA6] =	sst s8  }
0x11: {  	[smem:$0x3FA7] =	sst s9;
	s0 =	simm.s32 @!p0 $0x0  }
0x12: {  	s1 =	sld [smem:$0x3F8D];
	s0 =	simm.s32 @p0 $0x1  }
0x13: {  	[smem:$0x3FA8] =	sst s0;
	s0 =	simm.s32 @!p1 $0x0  }
0x14: {  	s2 =	sld [smem:$0x3F8C];
	s0 =	simm.s32 @p1 $0x1  }
0x15: {  	[smem:$0x3FA9] =	sst s0;
	s0 =	simm.s32 @!p2 $0x0  }
0x16: {  	s3 =	sld [smem:$0x3FDB];
	s0 =	simm.s32 @p2 $0x1  }
0x17: {  	s4 =	simm.s32 $0x1BF5;
	[smem:$0x3FAB] =	sst s0  }
0x18: {  	s0 =	sld [smem:$0x3F8E];
	_ =	swait.ge [sflag:s4], $0x0  }
0x19: {  	s7 =	sld [smem:$0x3F8F]  }
0x1a: {  	s8 =	sadd.s32 $0xFFFFE003, lr  }
0x1b: {  	s9 =	sadd.s32 $0xFFFFFEF7, lr;
	s5 =	simm.s32 $0xFFFFFFFF;
	p2 =	slt.u32 s8, $0xFFFFF086  }
0x1c: {  	p1 =	slt.u32 s9, $0xF7A;
	s5 =	simm.s32 @!p2 $0x0  }
0x1d: {  	s5 =	simm.s32 @p1 $0x1;
	p0 =	seq.s32 s7, s2  }
0x1e: {  	s7 =	smul.u32 @!p0 $0xF7A, s2;
	p2 =	seq.s32 @!p0 s5, $0x0  }
0x1f: {  	s9 =	smul.u32 $0xF7A, s1;
	s8 =	simm.s32 @!p0 $0x1BF5;
	p2 =	por !p2, p0  }
0x20: {  	[sflag:s8] =	ssyncset.s32 @!p0 $0xFFFFF086;
	s6 =	sadd.s32 @!p0 s3, s7;
	s7 =	simm.s32 @!p0 $0x108  }
0x21: {  	s3 =	sadd.s32 s3, s9;
	s6 =	sadd.s32 @!p0 $0x88, s6;
	s7 =	simm.s32 @p2 $0x1082  }
0x22: {  	[simem:s7], [sflag:s8] =	dma.local @!p0 [hbm:s6], $0xF7A  }
0x23: {  	s9 =	sor.u32 $0xD0000000, s2;
	s6 =	simm.s32 $0x108;
	_ =	swait.ge @!p0 [sflag:s8], $0x0  }
0x24: {  	s3 =	sadd.s32 $0x88, s3;
	s6 =	simm.s32 @!p1 $0x1082;
	[sflag:s4] =	ssyncset.s32 $0xFFFFF086  }
0x25: {  	[simem:s6], [sflag:s4] =	dma.local [hbm:s3], $0xF7A  }
0x26: {  	[smem:$0x3F8F] =	sst s1;
	(tag) =	ssettag s2;
	_ =	strace s9  }
0x27: {  	s1 =	sld [smem:$0x3F9F]  }
0x28: {  	s2 =	sld [smem:$0x3FA0]  }
0x29: {  	s4 =	sld [smem:$0x3FA2]  }
0x2a: {  	p0 =	seq.s32 s5, $0x0;
	s5 =	sld [smem:$0x3FA3]  }
0x2b: {  	s6 =	sld [smem:$0x3FA4]  }
0x2c: {  	s7 =	sld [smem:$0x3FA5]  }
0x2d: {  	s3 =	simm.s32 $0x108;
	s8 =	sld [smem:$0x3FA6]  }
0x2e: {  	s3 =	simm.s32 @!p0 $0x1082;
	s9 =	sld [smem:$0x3FA7]  }
0x2f: {  	lr =	sadd.s32 s0, s3;
	s0 =	sld [smem:$0x3F9E]  }
0x30: {  	s3 =	sld [smem:$0x3FA1]  }
0x31: {  	[smem:$0x3FAA] =	sst s10  }
0x32: {  	s10 =	sld [smem:$0x3FA8];
	_ =	sdelay $0x3  }
0x33: {  	p0 =	seq.s32 s10, $0x1;
	s10 =	sld [smem:$0x3FAA];
	_ =	sdelay $0x3  }
0x34: {  	[smem:$0x3FAA] =	sst s10  }
0x35: {  	s10 =	sld [smem:$0x3FA9];
	_ =	sdelay $0x3  }
0x36: {  	p1 =	seq.s32 s10, $0x1;
	s10 =	sld [smem:$0x3FAA];
	_ =	sdelay $0x3  }
0x37: {  	[smem:$0x3FAA] =	sst s10  }
0x38: {  	s10 =	sld [smem:$0x3FAB]  }
0x39: {  	_ = 	snop;
	(pc) =	sbr.ind lr, $3  }
0x3a: {  	_ = 	snop  }
0x3b: {  	_ = 	snop  }
0x3c: {  	p2 =	seq.s32 s10, $0x1;
	s10 =	sld [smem:$0x3FAA]  }
0x3d: {  	_ =	shalt  }
0x3e: {  	_ =	shalt  }
0x3f: {  	_ =	shalt  }
0x40: {  	_ =	shalt  }
0x41: {  	_ =	shalt  }
0x42: {  	_ =	shalt  }
0x43: {  	_ =	shalt  }
0x44: {  	_ =	shalt  }
0x45: {  	_ =	shalt  }
0x46: {  	_ =	shalt  }
0x47: {  	_ =	shalt  }
0x48: {  	_ =	shalt  }
0x49: {  	_ =	shalt  }
0x4a: {  	_ =	shalt  }
0x4b: {  	_ =	shalt  }
0x4c: {  	_ =	shalt  }
0x4d: {  	_ =	shalt  }
0x4e: {  	_ =	shalt  }
0x4f: {  	_ =	shalt  }
0x50: {  	_ =	shalt  }
0x51: {  	_ =	shalt  }
0x52: {  	_ =	shalt  }
0x53: {  	_ =	shalt  }
0x54: {  	_ =	shalt  }
0x55: {  	_ =	shalt  }
0x56: {  	_ =	shalt  }
0x57: {  	_ =	shalt  }
0x58: {  	_ =	shalt  }
0x59: {  	_ =	shalt  }
0x5a: {  	_ =	shalt  }
0x5b: {  	_ =	shalt  }
0x5c: {  	_ =	shalt  }
0x5d: {  	_ =	shalt  }
0x5e: {  	_ =	shalt  }
0x5f: {  	_ =	shalt  }
0x60: {  	_ =	shalt  }
0x61: {  	_ =	shalt  }
0x62: {  	_ =	shalt  }
0x63: {  	_ =	shalt  }
0x64: {  	_ =	shalt  }
0x65: {  	_ =	shalt  }
0x66: {  	_ =	shalt  }
0x67: {  	_ =	shalt  }
0x68: {  	_ =	shalt  }
0x69: {  	_ =	shalt  }
0x6a: {  	_ =	shalt  }
0x6b: {  	_ =	shalt  }
0x6c: {  	_ =	shalt  }
0x6d: {  	_ =	shalt  }
0x6e: {  	_ =	shalt  }
0x6f: {  	_ =	shalt  }
0x70: {  	_ =	shalt  }
0x71: {  	_ =	shalt  }
0x72: {  	_ =	shalt  }
0x73: {  	_ =	shalt  }
0x74: {  	_ =	shalt  }
0x75: {  	_ =	shalt  }
0x76: {  	_ =	shalt  }
0x77: {  	_ =	shalt  }
0x78: {  	_ =	shalt  }
0x79: {  	_ =	shalt  }
0x7a: {  	_ =	shalt  }
0x7b: {  	_ =	shalt  }
0x7c: {  	_ =	shalt  }
0x7d: {  	_ =	shalt  }
0x7e: {  	_ =	shalt  }
0x7f: {  	_ =	shalt  }
0x80: {  	_ =	shalt  }
0x81: {  	_ =	shalt  }
0x82: {  	_ =	shalt  }
0x83: {  	_ =	shalt  }
0x84: {  	_ =	shalt  }
0x85: {  	_ =	shalt  }
0x86: {  	_ =	shalt  }
0x87: {  	_ =	shalt  }
.Lfunc_end0:
.L_simem_size_0:
called_computation_lowered:
.L_overlay_start_0:
0x88: {  	s2 =	sld [smem:$0x3FD9]  }
0x89: {  	s3 =	sld [smem:$0x3FFE];
	_ =	sdelay $0x1  }
0x8a: {  	s1 =	srdreg.scid  }
0x8b: {  	s0 =	sand.u32 $0x1, s1  }
0x8c: {  	s14 =	sshll.u32 s0, $0xA;
	s2 =	sadd.s32 s3, s2  }
0x8d: {  	s2 =	sadd.s32 s2, s14  }
0x8e: {  	[smem:$0x3FB6] =	sst s2  }
0x8f: {  	_ = 	snop  }
0x90: {  	s2 =	sld [smem:$0x3FD0];
	_ =	sdelay $0x2  }
0x91: {  	s4 =	simm.s32 $0xA;
	s5 =	simm.s32 $0x10;
	s15 =	sld [smem:$0x3FC9]  }
0x92: {  	[smem:s5], [sflag:s4] =	dma.local [hbm:s2], $0x1  }
0x93: {  	_ =	swait.eq [sflag:s4], $0x1  }
0x94: {  	[sflag:s4] =	ssyncset.done $0x0  }
0x95: {  	[sflag:s4] =	ssyncadd.s32 $0xFFFFFFFF  }
0x96: {  	s16 =	sld [smem:$0x11];
	(tm) =	ssettm $0x1  }
0x97: {  	s17 =	sld [smem:$0x3FFB];
	_ =	sdelay $0x3  }
0x98: {  	_ =	strace s17  }
0x99: {  	s4 =	sld [smem:$0x3FFC];
	_ =	sdelay $0x3  }
0x9a: {  	_ =	strace s4  }
0x9b: {  	s4 =	sld [smem:$0x3FFD];
	_ =	sdelay $0x3  }
0x9c: {  	_ =	strace s4  }
0x9d: {  	_ =	strace $0x8FFFFFFF  }
0x9e: {  	s18 =	sld [smem:$0x3FDB];
	_ =	sdelay $0x1  }
0x9f: {  	s19 =	simm.s32 $_scs_section_size  }
0xa0: {  	s6 =	simm.s32 $_size__tile_overlayer_lowered;
	s7 =	simm.s32 $_tile_overlayer_lowered  }
0xa1: {  	s22 =	simm.s32 $0x1BFF;
	s21 =	sshll.u32 s7, $0x1;
	s4 =	sadd.s32 s19, s18  }
0xa2: {  	s8 =	simm.s32 $0x0;
	s20 =	sshll.u32 s6, $0x1;
	s6 =	sadd.s32 s21, s4  }
0xa3: {  	[timem:s8], [sflag:s22] =	dma.local [hbm:s6], s20  }
0xa4: {  	_ =	swait.ge [sflag:s22], s20  }
0xa5: {  	s5 =	ssub.s32 $0x0, s20;
	[sflag:s22] =	ssyncset.done $0x0  }
0xa6: {  	[sflag:s22] =	ssyncadd.s32 s5;
	_ =	sdelay $0x1  }
0xa7: {  	s23 =	simm.s32 $0x1B8B  }
0xa8: {  	_ =	swait.ge [sflag:s23], $0x1  }
0xa9: {  	[sflag:s23] =	ssyncset.done $0x0  }
0xaa: {  	s25 =	simm.s32 $0x1B8E;
	s24 =	sld [smem:$0x3FFE];
	[sflag:s23] =	ssyncadd.s32 $0xFFFFFFFF  }
0xab: {  	s26 =	simm.s32 $execute0_lowered;
	[smem:$0x3FD2] =	sst s25  }
0xac: {  	s6 =	sshll.u32 s26, $0x1;
	_ =	strace $0x80000046;
	[dreg:$0x1] =	wrdreg $0xFFFFFFFF  }
0xad: {  	s28 =	simm.s32 $_size_execute0_lowered;
	s4 =	sadd.s32 s4, s6;
	[dreg:$0x0] =	wrdreg $0x0  }
0xae: {  	s6 =	sshll.u32 s28, $0x1;
	[dreg:$0x2] =	wrdreg s4  }
0xaf: {  	[dreg:$0x3] =	wrdreg s6  }
0xb0: {  	[dreg:$0x4] =	wrdreg $0xC0  }
0xb1: {  	_ =	task [dreg:s8], $0x5FFFF  }
0xb2: {  	[dreg:$0x1] =	wrdreg $0xFFFFFFFF  }
0xb3: {  	[dreg:$0x0] =	wrdreg $0x60  }
0xb4: {  	[dreg:$0x2] =	wrdreg s15  }
0xb5: {  	[dreg:$0x3] =	wrdreg s16  }
0xb6: {  	[dreg:$0x4] =	wrdreg s24  }
0xb7: {  	[dreg:$0x5] =	wrdreg $0x9  }
0xb8: {  	_ =	task.clear_ibuf [dreg:s8], $0x6FFFF;
	_ =	strace $0x90000046  }
0xb9: {  	s29 =	simm.s32 $0x9;
	_ =	strace $0x80000048  }
0xba: {  	_ =	swait.ge [sflag:s29], $0x1  }
0xbb: {  	[sflag:s29] =	ssyncadd.s32 $0xFFFFFFFF  }
0xbc: {  	_ =	strace $0x90000048  }
0xbd: {  	_ =	sfence  }
0xbe: {  	s30 =	sld [smem:$0x0];
	_ =	sdelay $0x2  }
0xbf: {  	s31 =	sshll.u32 s1, $0xD;
	s1 =	sshrl.u32 s1, $0x2  }
0xc0: {  	s3 =	sand.u32 $0x4000, s31;
	s1 =	sadd.s32 s1, s30  }
0xc1: {  	s0 =	sor.u32 s3, s0;
	s1 =	sshll.u32 s1, $0x11  }
0xc2: {  	s0 =	sor.u32 s1, s0  }
0xc3: {  	s0 =	sadd.s32 $0x8F2B, s0  }
0xc4: {  	[sflag:s0] =	ssyncadd.remote.s32 $0x1  }
0xc5: {  	_ =	sfence.sel $0xFFFF  }
0xc6: {  	[dreg:$0x0] =	wrdreg $0xFFFFFFFF;
	(pc) =	sbr.abs _section_cstart, $3  }
0xc7: {  	[dreg:$0x1] =	wrdreg $0xFFFFFFFF  }
0xc8: {  	_ =	task.clear_ibuf [dreg:s8], $0x2FFFF;
	_ =	strace $0x9FFFFFFF  }
0xc9: {  	(tm) =	ssettm $0x7FFFFFFF  }
tec
execute0_lowered:
.L_overlay_start_1:
0x0: {  	(tag) =	ssettag $0x1  }
0x1: {  	s1 =	rddreg [dreg:$0x0]  }
0x2: {  	s3 =	rddreg [dreg:$0x1]  }
0x3: {  	s5 =	rddreg [dreg:$0x2]  }
0x4: {  	s0 =	rddreg [dreg:$0x3];
	s6 =	srdreg.scid  }
0x5: {  	s2 =	stileid.u32;
	s4 =	simm.s32 $0x0;
	s11 =	simm.s32 $0x2  }
0x6: {  	s12 =	simm.s32 $0x1000;
	s15 =	simm.s32 $0x1B00;
	s16 =	simm.s32 $0x2300  }
0x7: {  	s17 =	simm.s32 $0x2B00;
	s18 =	simm.s32 $0x3300;
	s19 =	simm.s32 $0x3B00  }
0x8: {  	s20 =	simm.s32 $0x4300;
	s21 =	simm.s32 $0x4B00;
	s22 =	simm.s32 $0x1  }
0x9: {  	s23 =	simm.s32 $0x0;
	s6 =	sand.u32 $0x1, s6;
	s7 =	sshll.u32 s2, $0x1  }
0xa: {  	[smem:$0x7FF] =	sst s4;
	s8 =	sadd.s32 $0x300, s1;
	s13 =	sor.u32 s6, s7  }
0xb: {  	_ =	strace $0x80000047;
	s6 =	ssub.s32 $0x2, s6;
	s7 =	sshll.u32 s13, $0xB  }
0xc: {  	s31 =	sshrl.u32 s6, $0x1;
	s14 =	sshll.u32 s13, $0x6;
	p0 =	sne.s32 s13, $0x0  }
0xd: {  	v0 =	vlaneseq.u32;
	s9 =	sadd.s32 s7, s5;
	s5 =	sadd.s32 $0x1000, s5;
	s10 =	ssub.s32 s6, s31  }
0xe: {  	vm0 =	vmmov $0xffff;
	v2 =	vshrl.u32 v0, $0x3;
	s6 =	sadd.s32 $0x100, s1;
	s7 =	sadd.s32 $0x200, s1;
	s13 =	sshrl.u32 s14, $0x2  }
0xf: {  	v1 =	vand.u32 $0x7, v0;
	v3 =	vor.u32 $0x8, v0;
	v2 =	vmul.u32 $0x8, v2;
	s14 =	simm.s32 $0x1300;
	s9 =	sadd.s32 $0x1200, s9;
	s10 =	smax.u32 s10, $0x1  }
.LBB2_1:
0x10: {  	[tilespmem:s4], [sflag:$0x2] =	stream.linear.gather [hbm4b:s3+s4], $0x1000, $0x38;
	[tilespmem:$0x5300] =	vst v63  }
0x11: {  	_ =	swait.ge [sflag:s11], $0x1000  }
0x12: {  	[sflag:s11] =	ssyncset.done $0x0  }
0x13: {  	[sflag:s11] =	ssyncadd.s32 $0xFFFFF000  }
0x14: {  	s25 =	simm.s32 $0x10;
	s24 =	simm.s32 $0x0;
	s26 =	simm.s32 $0x0;
	v4 =	vld [tilespmem:s4+$0x0]  }
.LBB2_2:
0x15: {  	p1 =	sne.s32 s25, $0xFF0;
	_ =	sdelay $0x3  }
0x16: {  	vm1 =	vlt.s32 v4, $0x207  }
0x17: {  	v4 =	vnsel vm1, $0x207, v4;
	_ =	sdelay $0x1  }
.Ltmp0:
0x18: {  	(pc) =	sbr.rel @p1 .LBB2_2-.Ltmp0, $4  }
0x19: {  	_ = 	snop  }
0x1a: {  	v5 =	vor.u32 s24, v0;
	s24 =	smov.u32 s25  }
0x1b: {  	s26 =	sadd.s32 $0x10, s26;
	[tilespmem:v4+s12+$0x0] =	vst.idx.msk $0xffff, v5  }
0x1c: {  	s25 =	sadd.s32 $0x10, s25;
	v4 =	vld [tilespmem:s26+$0x0]  }
0x1d: {  	_ =	sdelay $0x3  }
0x1e: {  	vm1 =	vlt.s32 v4, $0x207  }
0x1f: {  	v4 =	vnsel vm1, $0x207, v4;
	_ =	sdelay $0x3  }
0x20: {  	v5 =	vor.u32 s24, v0  }
0x21: {  	[tilespmem:v4+s12+$0x0] =	vst.idx.msk $0xffff, v5  }
0x22: {  	v4 =	vld [tilespmem:s13+$0x1000];
	_ =	sdelay $0x4  }
0x23: {  	v5 =	vshll.u32 v4, $0x3  }
0x24: {  	v6 =	vand.u32 $0x7, v4;
	v5 =	vand.u32 $0xFFFFFFC0, v5  }
0x25: {  	v5 =	vor.u32 v6, v5  }
0x26: {  	v6 =	vperm.xlane v5, v1;
	_ =	sdelay $0x1  }
0x27: {  	v6 =	vadd.s32 v2, v6;
	_ =	sdelay $0x3  }
0x28: {  	[tilespmem:$0x1280] =	vst v4  }
0x29: {  	[tilespmem:s14], [sflag:$0x1] =	stream.indirect_vreg.gather [hbm4b:s1+s4], $0x80, v6, vm0, $0xb8;
	[tilespmem:$0x5300] =	vst v63  }
0x2a: {  	v4 =	vperm.xlane v5, v3  }
0x2b: {  	[tilespmem:s15], [sflag:$0x1] =	stream.indirect_vreg.gather [hbm4b:s6+s4], $0x80, v6, vm0, $0xb8;
	[tilespmem:$0x5300] =	vst v63  }
0x2c: {  	v4 =	vadd.s32 v2, v4  }
0x2d: {  	[tilespmem:s16], [sflag:$0x1] =	stream.indirect_vreg.gather [hbm4b:s7+s4], $0x80, v6, vm0, $0xb8;
	[tilespmem:$0x5300] =	vst v63  }
0x2e: {  	_ = 	snop  }
0x2f: {  	[tilespmem:s17], [sflag:$0x1] =	stream.indirect_vreg.gather [hbm4b:s8+s4], $0x80, v6, vm0, $0xb8;
	[tilespmem:$0x5300] =	vst v63  }
0x30: {  	_ = 	snop  }
0x31: {  	[tilespmem:s18], [sflag:$0x1] =	stream.indirect_vreg.gather [hbm4b:s1+s4], $0x80, v4, vm0, $0xb8;
	[tilespmem:$0x5300] =	vst v63  }
0x32: {  	_ = 	snop  }
0x33: {  	[tilespmem:s19], [sflag:$0x1] =	stream.indirect_vreg.gather [hbm4b:s6+s4], $0x80, v4, vm0, $0xb8;
	[tilespmem:$0x5300] =	vst v63  }
0x34: {  	_ = 	snop  }
0x35: {  	[tilespmem:s20], [sflag:$0x1] =	stream.indirect_vreg.gather [hbm4b:s7+s4], $0x80, v4, vm0, $0xb8;
	[tilespmem:$0x5300] =	vst v63  }
0x36: {  	_ = 	snop  }
0x37: {  	[tilespmem:s21], [sflag:$0x1] =	stream.indirect_vreg.gather [hbm4b:s8+s4], $0x80, v4, vm0, $0xb8;
	[tilespmem:$0x5300] =	vst v63  }
0x38: {  	_ =	swait.ge [sflag:s22], $0x4000  }
0x39: {  	[sflag:s22] =	ssyncset.done $0x0  }
0x3a: {  	[sflag:s22] =	ssyncadd.s32 $0xFFFFC000  }
0x3b: {  	[hbm4b:s9+s4] =	stream.linear.scatter [tilespmem:s14], [sflag:$0x2], $0x4000, $0x38;
	[tilespmem:$0x5300] =	vst v63  }
0x3c: {  	_ =	swait.ge [sflag:s11], $0x4000  }
0x3d: {  	s24 =	simm.s32 @!p0 $0x0;
	s23 =	sadd.s32 $0x1, s23;
	[sflag:s11] =	ssyncset.done $0x0  }
0x3e: {  	s25 =	simm.s32 @!p0 $0x1000;
	p1 =	sne.s32 s23, s10;
	[sflag:s11] =	ssyncadd.s32 $0xFFFFC000  }
0x3f: {  	[hbm4b:s5+s24] =	stream.linear.scatter @!p0 [tilespmem:s25], [sflag:$0x2], $0x280, $0x38;
	[tilespmem:$0x5300] =	vst v63  }
.Ltmp1:
0x40: {  	_ = 	snop;
	(pc) =	sbr.rel @p1 .LBB2_1-.Ltmp1, $4  }
0x41: {  	s24 =	simm.s32 @!p0 $0x2  }
0x42: {  	_ =	swait.ge @!p0 [sflag:s24], $0x280  }
0x43: {  	[sflag:s24] =	ssyncset.done @!p0 $0x0  }
0x44: {  	[sflag:s24] =	ssyncadd.s32 @!p0 $0xFFFFFD80  }
0x45: {  	_ =	sfence.sel $0x180000  }
0x46: {  	[bflag:$0x0] =	sbarrier.arrive $0xFFFF  }
0x47: {  	p0 =	sne.s32 s2, $0x0;
	_ =	strace $0x90000047  }
0x48: {  	s0 =	sadd.s32 @!p0 $0x100000, s0;
	[bflag:$0x2] =	sbarrier.arrive $0xFFFF  }
0x49: {  	[sflag:s0] =	ssyncadd.tile.s32 @!p0 $0x1;
	_ =	shalt  }
.Lfunc_end2:
_tile_overlayer_lowered:
.L_overlay_start_2:
0x4a: {  	(tag) =	ssettag $0x2  }
0x4b: {  	s0 =	rddreg [dreg:$0x0];
	s2 =	stileid.u32  }
0x4c: {  	s1 =	rddreg [dreg:$0x1];
	p0 =	sne.s32 s2, $0x0  }
0x4d: {  	s3 =	rddreg [dreg:$0x2];
	[bflag:$0x3] =	sbarrier.arrive $0xFFFF;
	s2 =	simm.s32 @!p0 $0x1C02  }
0x4e: {  	[timem:s3], [sflag:s2] =	dma.local @!p0 [hbm:s0], s1  }
0x4f: {  	s0 =	simm.s32 @!p0 $0x2  }
0x50: {  	_ =	swait.ge @!p0 [sflag:s0], s1  }
0x51: {  	s1 =	ssub.s32 @!p0 $0x0, s1;
	[sflag:s0] =	ssyncset.done @!p0 $0x0  }
0x52: {  	[sflag:s0] =	ssyncadd.s32 @!p0 s1  }
0x53: {  	[bflag:$0x3] =	sbarrier.arrive $0xFFFF  }
0x54: {  	_ =	shalt  }

</sc_bundles>
